<compile_context>
chip_gen: v7x
topology: tpu7x:2x2x1
jax: 0.10.2.dev20260603
libtpu: 0.0.44.dev20260713+nightly
codegen_flags: <defaults>
</compile_context>

<pallas_src>
import jax
import jax.numpy as jnp
from jax import lax
from jax.experimental import pallas as pl
from jax.experimental.pallas import tpu as pltpu
from jax.experimental.pallas import tpu_sc as plsc

B = 16384
S = 64
NC = 2
NS = 16
NW = NC * NS
L = 16
PB = B // NW
N_TABLE = 100000

_TBLK = 8192
_TGRID = (N_TABLE + _TBLK - 1) // _TBLK
_SBLK = 2048


def _sc_body(m_hbm, s2_hbm, wu_hbm, b_hbm, ow_hbm,
             idx_v, wu_v, s_v, bm_v, sem_wu, sem_b, sem_s):
    wid = lax.axis_index("s") * NC + lax.axis_index("c")
    base = wid * PB
    half = base // (B // 2)

    pltpu.sync_copy(m_hbm.at[pl.ds(base, PB)], idx_v)
    cwu = pltpu.make_async_copy(wu_hbm.at[idx_v], wu_v, sem_wu)
    cb = pltpu.make_async_copy(b_hbm.at[idx_v], bm_v.at[pl.ds(0, PB)], sem_b)
    cs = pltpu.make_async_copy(
        s2_hbm.at[pl.ds(base % (B // 2), PB), pl.ds(half * S, S)], s_v, sem_s)
    cwu.start()
    cb.start()
    cs.start()
    cwu.wait()
    cs.wait()
    cb.wait()

    lane15 = jnp.full((L,), 15, jnp.int32)
    lane0 = jnp.zeros((L,), jnp.int32)

    @plsc.parallel_loop(0, PB, 1, unroll=8)
    def _body(i):
        sv = [s_v[i, pl.ds(16 * k, L)] for k in range(S // L)]
        wv = [wu_v[i, pl.ds(16 * k, L)] for k in range(S // L)]
        uv = [wu_v[i, pl.ds(S + 16 * k, L)] for k in range(S // L)]
        p = (wv[0] * sv[0] + wv[1] * sv[1]) + (wv[2] * sv[2] + wv[3] * sv[3])
        c = plsc.cumsum(p)
        inner = jnp.take_along_axis(c, lane15, axis=0)
        bvec = jnp.take_along_axis(bm_v[pl.ds(i, L)], lane0, axis=0)
        x = inner + bvec
        t = 1.0 - 2.0 / (jnp.exp(x + x) + 1.0)
        for k in range(S // L):
            wu_v[i, pl.ds(16 * k, L)] = sv[k] + uv[k] * t
    pltpu.sync_copy(wu_v, ow_hbm.at[pl.ds(base, PB)])


def _fuse_body(wt_ref, ut_ref, wu_ref):
    wu_ref[...] = jnp.concatenate(
        [wt_ref[...].T, ut_ref[...].T], axis=-1)


def _s_body(st_lo_ref, st_hi_ref, s2_ref):
    s2_ref[:, 0:S] = st_lo_ref[...].T
    s2_ref[:, S:2 * S] = st_hi_ref[...].T


def _post_body(ow_ref, ot_ref):
    ot_ref[...] = ow_ref[:, 0:S].T


def kernel(m, s, w, b, u):
    wt = jnp.swapaxes(w, 0, 1)
    ut = jnp.swapaxes(u, 0, 1)
    st = jnp.swapaxes(s, 0, 1)
    wu = pl.pallas_call(
        _fuse_body,
        grid=(_TGRID,),
        in_specs=[
            pl.BlockSpec((S, _TBLK), lambda i: (0, i)),
            pl.BlockSpec((S, _TBLK), lambda i: (0, i)),
        ],
        out_specs=pl.BlockSpec((_TBLK, 2 * S), lambda i: (i, 0)),
        out_shape=jax.ShapeDtypeStruct((_TGRID * _TBLK, 2 * S), jnp.float32),
    )(wt, ut)
    s2 = pl.pallas_call(
        _s_body,
        grid=(B // 2 // _SBLK,),
        in_specs=[
            pl.BlockSpec((S, _SBLK), lambda i: (0, i)),
            pl.BlockSpec((S, _SBLK), lambda i: (0, i + B // 2 // _SBLK)),
        ],
        out_specs=pl.BlockSpec((_SBLK, 2 * S), lambda i: (i, 0)),
        out_shape=jax.ShapeDtypeStruct((B // 2, 2 * S), jnp.float32),
    )(st, st)

    mesh = plsc.VectorSubcoreMesh(core_axis_name="c", subcore_axis_name="s")
    run = pl.kernel(
        _sc_body,
        out_type=jax.ShapeDtypeStruct((B, 2 * S), jnp.float32),
        mesh=mesh,
        compiler_params=pltpu.CompilerParams(
            needs_layout_passes=False, use_tc_tiling_on_sc=False),
        scratch_types=[
            pltpu.VMEM((PB,), jnp.int32),
            pltpu.VMEM((PB, 2 * S), jnp.float32),
            pltpu.VMEM((PB, S), jnp.float32),
            pltpu.VMEM((PB + L,), jnp.float32),
            pltpu.SemaphoreType.DMA,
            pltpu.SemaphoreType.DMA,
            pltpu.SemaphoreType.DMA,
        ],
    )
    out_wide = run(m.astype(jnp.int32), s2, wu, b)
    out_t = pl.pallas_call(
        _post_body,
        grid=(B // _SBLK,),
        in_specs=[pl.BlockSpec((_SBLK, 2 * S), lambda i: (i, 0))],
        out_specs=pl.BlockSpec((S, _SBLK), lambda i: (0, i)),
        out_shape=jax.ShapeDtypeStruct((S, B), jnp.float32),
    )(out_wide)
    return jnp.swapaxes(out_t, 0, 1)

# --- scband reference (transcript-rebuilt; emitter-appended) ---
"""Pipeline reference for scband-planar-trans-8572754722978 (READ-ONLY COPY).

The authoritative reference and input builder live on the scoring server;
editing this copy changes nothing except your own understanding.
"""

import jax, jax.numpy as jnp
import numpy as np

N_M = 100000
S_DIM = 64
BATCH = 16384

def setup_inputs(seed: int = 0) -> dict:
    key = jax.random.key(seed)
    k1, k2, k3, k4, k5 = jax.random.split(key, 5)
    m = jax.random.randint(k1, (BATCH,), 0, N_M, dtype=jnp.int64) if jax.config.jax_enable_x64 else jax.random.randint(k1, (BATCH,), 0, N_M).astype(jnp.int32)
    s = jax.random.normal(k2, (BATCH, S_DIM), dtype=jnp.float32)
    w = 0.1 * jax.random.normal(k3, (N_M, S_DIM), dtype=jnp.float32)
    b = 0.1 * jax.random.normal(k4, (N_M,), dtype=jnp.float32)
    u = 0.1 * jax.random.normal(k5, (N_M, S_DIM), dtype=jnp.float32)
    return {"m": m, "s": s, "w": w, "b": b, "u": u}

def reference(m, s, w, b, u):
    # Planar flow transform with per-sample mixture component m:
    # out = s + u[m] * tanh(<w[m], s> + b[m])
    wm = jnp.take(w, m, axis=0)          # [B, s_dim] gather
    um = jnp.take(u, m, axis=0)          # [B, s_dim] gather
    bm = jnp.take(b, m, axis=0)          # [B]        gather
    inner = jnp.sum(wm * s, axis=-1, keepdims=True) + bm[:, None]  # [B, 1]
    return s + um * jnp.tanh(inner)      # [B, s_dim]

if __name__ == "__main__":
    import jax
    _d = setup_inputs()
    print(jax.jit(kernel)(*tuple(_d.values())))

</pallas_src>

<mosaic_0001>
#map = affine_map<(d0, d1) -> (0)>
#map1 = affine_map<(d0, d1) -> (0, 0)>
module attributes {stable_mosaic.version = 14 : i64} {
  func.func @_sc_body(%arg0: i32, %arg1: i32, %arg2: memref<16384xi32, #tpu.memory_space<hbm>>, %arg3: memref<8192x128xf32, #tpu.memory_space<hbm>>, %arg4: memref<106496x128xf32, #tpu.memory_space<hbm>>, %arg5: memref<100000xf32, #tpu.memory_space<hbm>>, %arg6: memref<16384x128xf32, #tpu.memory_space<hbm>>, %arg7: memref<512xi32, #tpu.memory_space<vmem>>, %arg8: memref<512x128xf32, #tpu.memory_space<vmem>>, %arg9: memref<512x64xf32, #tpu.memory_space<vmem>>, %arg10: memref<528xf32, #tpu.memory_space<vmem>>, %arg11: memref<!tpu.dma_semaphore, #tpu.memory_space<semaphore_mem>>, %arg12: memref<!tpu.dma_semaphore, #tpu.memory_space<semaphore_mem>>, %arg13: memref<!tpu.dma_semaphore, #tpu.memory_space<semaphore_mem>>) attributes {dimension_semantics = [#tpu.dimension_semantics<core_parallel>, #tpu.dimension_semantics<subcore_parallel>], iteration_bounds = array<i64: 2, 16>, scalar_prefetch = 0 : i64, scratch_operands = 7 : i64, tpu.core_type = #tpu.core_type<sc_vector_subcore>, window_params = [{transform_indices = #map}, {transform_indices = #map1}, {transform_indices = #map1}, {transform_indices = #map}, {transform_indices = #map1}]} {
    %mul3A = arith.constant 2 : i32
    %mul3A_0 = arith.muli %arg1, %mul3A : i32
    %add3A = arith.addi %mul3A_0, %arg0 : i32
    %mul3A_1 = arith.constant 512 : i32
    %mul3A_2 = arith.muli %add3A, %mul3A_1 : i32
    %jit3A = arith.constant 8192 : i32
    %div3A = arith.divsi %mul3A_2, %jit3A : i32
    %sign3A = arith.constant 0 : i32
    %sign3A_3 = arith.cmpi sgt, %mul3A_2, %sign3A : i32
    %sign3A_4 = arith.extui %sign3A_3 : i1 to i32
    %sign3A_5 = arith.constant 0 : i32
    %sign3A_6 = arith.cmpi slt, %mul3A_2, %sign3A_5 : i32
    %sign3A_7 = arith.extui %sign3A_6 : i1 to i32
    %sign3A_8 = arith.subi %sign3A_4, %sign3A_7 : i32
    %sign3A_9 = arith.constant 0 : i32
    %sign3A_10 = arith.cmpi sgt, %jit3A, %sign3A_9 : i32
    %sign3A_11 = arith.extui %sign3A_10 : i1 to i32
    %sign3A_12 = arith.constant 0 : i32
    %sign3A_13 = arith.cmpi slt, %jit3A, %sign3A_12 : i32
    %sign3A_14 = arith.extui %sign3A_13 : i1 to i32
    %sign3A_15 = arith.subi %sign3A_11, %sign3A_14 : i32
    %ne3A = arith.cmpi ne, %sign3A_8, %sign3A_15 : i32
    %rem3A = arith.remsi %mul3A_2, %jit3A : i32
    %ne3A_16 = arith.constant 0 : i32
    %ne3A_17 = arith.cmpi ne, %rem3A, %ne3A_16 : i32
    %and3A = arith.andi %ne3A, %ne3A_17 : i1
    %sub3A = arith.constant 1 : i32
    %sub3A_18 = arith.subi %div3A, %sub3A : i32
    %select_n3A = arith.select %and3A, %sub3A_18, %div3A : i32
    "tpu.region"() ({
      %run_scoped3A = tpu.sem_alloc : memref<!tpu.dma_semaphore, #tpu.memory_space<semaphore_mem>>
      %dma_start3A_56 = tpu.memref_slice %arg2[%mul3A_2] : memref<16384xi32, #tpu.memory_space<hbm>> -> memref<512xi32, #tpu.memory_space<hbm>>
      %dma_start3A_57 = tpu.memref_slice %arg2[%mul3A_2] : memref<16384xi32, #tpu.memory_space<hbm>> -> memref<512xi32, #tpu.memory_space<hbm>>
      tpu.enqueue_dma source(%dma_start3A_57 : memref<512xi32, #tpu.memory_space<hbm>>) target(%arg7 : memref<512xi32, #tpu.memory_space<vmem>>) target_semaphore(%run_scoped3A : memref<!tpu.dma_semaphore, #tpu.memory_space<semaphore_mem>>)
      %dma_wait3A_58 = tpu.memref_slice %arg2[%mul3A_2] : memref<16384xi32, #tpu.memory_space<hbm>> -> memref<512xi32, #tpu.memory_space<hbm>>
      %dma_wait3A_59 = tpu.memref_slice %arg2[%mul3A_2] : memref<16384xi32, #tpu.memory_space<hbm>> -> memref<512xi32, #tpu.memory_space<hbm>>
      tpu.wait_dma2 semaphore(%run_scoped3A : memref<!tpu.dma_semaphore, #tpu.memory_space<semaphore_mem>>) src(%dma_wait3A_59 : memref<512xi32, #tpu.memory_space<hbm>>) dst(%arg7 : memref<512xi32, #tpu.memory_space<vmem>>)
      tpu.yield
    }) : () -> ()
    %jit3A_19 = arith.constant 8192 : i32
    %eq3A = arith.constant 0 : i32
    %eq3A_20 = arith.cmpi eq, %jit3A_19, %eq3A : i32
    %jit3A_21 = arith.constant 1 : i32
    %select_n3A_22 = arith.select %eq3A_20, %jit3A_21, %jit3A_19 : i32
    %rem3A_23 = arith.remsi %mul3A_2, %select_n3A_22 : i32
    %ne3A_24 = arith.constant 0 : i32
    %ne3A_25 = arith.cmpi ne, %rem3A_23, %ne3A_24 : i32
    %lt3A = arith.constant 0 : i32
    %lt3A_26 = arith.cmpi slt, %rem3A_23, %lt3A : i32
    %lt3A_27 = arith.constant 0 : i32
    %lt3A_28 = arith.cmpi slt, %select_n3A_22, %lt3A_27 : i32
    %ne3A_29 = arith.xori %lt3A_26, %lt3A_28 : i1
    %and3A_30 = arith.andi %ne3A_29, %ne3A_25 : i1
    %add3A_31 = arith.addi %rem3A_23, %select_n3A_22 : i32
    %select_n3A_32 = arith.select %and3A_30, %add3A_31, %rem3A_23 : i32
    %mul3A_33 = arith.constant 64 : i32
    %mul3A_34 = arith.muli %select_n3A, %mul3A_33 : i32
    %dma_start3A = arith.constant 0 : i32
    %dma_start3A_35 = arith.constant 0 : i32
    %dma_start3A_36 = tpu.memref_slice %arg4[%dma_start3A, %dma_start3A_35] : memref<106496x128xf32, #tpu.memory_space<hbm>> -> memref<106496x128xf32, #tpu.memory_space<hbm>>
    tpu.enqueue_indirect_dma source(%dma_start3A_36 : memref<106496x128xf32, #tpu.memory_space<hbm>>) target(%arg8 : memref<512x128xf32, #tpu.memory_space<vmem>>) offsets(%arg7 : memref<512xi32, #tpu.memory_space<vmem>>) semaphore(%arg11 : memref<!tpu.dma_semaphore, #tpu.memory_space<semaphore_mem>>)
    %dma_start3A_37 = arith.constant 0 : i32
    %dma_start3A_38 = tpu.memref_slice %arg10[%dma_start3A_37] : memref<528xf32, #tpu.memory_space<vmem>> -> memref<512xf32, #tpu.memory_space<vmem>>
    %dma_start3A_39 = arith.constant 0 : i32
    %dma_start3A_40 = tpu.memref_slice %arg5[%dma_start3A_39] : memref<100000xf32, #tpu.memory_space<hbm>> -> memref<100000xf32, #tpu.memory_space<hbm>>
    tpu.enqueue_indirect_dma source(%dma_start3A_40 : memref<100000xf32, #tpu.memory_space<hbm>>) target(%dma_start3A_38 : memref<512xf32, #tpu.memory_space<vmem>>) offsets(%arg7 : memref<512xi32, #tpu.memory_space<vmem>>) semaphore(%arg12 : memref<!tpu.dma_semaphore, #tpu.memory_space<semaphore_mem>>)
    %dma_start3A_41 = tpu.memref_slice %arg3[%select_n3A_32, %mul3A_34] : memref<8192x128xf32, #tpu.memory_space<hbm>> -> memref<512x64xf32, #tpu.memory_space<hbm>>
    %dma_start3A_42 = tpu.memref_slice %arg3[%select_n3A_32, %mul3A_34] : memref<8192x128xf32, #tpu.memory_space<hbm>> -> memref<512x64xf32, #tpu.memory_space<hbm>>
    tpu.enqueue_dma source(%dma_start3A_42 : memref<512x64xf32, #tpu.memory_space<hbm>>) target(%arg9 : memref<512x64xf32, #tpu.memory_space<vmem>>) target_semaphore(%arg13 : memref<!tpu.dma_semaphore, #tpu.memory_space<semaphore_mem>>)
    %dma_wait3A = arith.constant 0 : i32
    %dma_wait3A_43 = arith.constant 0 : i32
    %dma_wait3A_44 = tpu.memref_slice %arg4[%dma_wait3A, %dma_wait3A_43] : memref<106496x128xf32, #tpu.memory_space<hbm>> -> memref<106496x128xf32, #tpu.memory_space<hbm>>
    tpu.wait_indirect_dma semaphore(%arg11 : memref<!tpu.dma_semaphore, #tpu.memory_space<semaphore_mem>>) src(%dma_wait3A_44 : memref<106496x128xf32, #tpu.memory_space<hbm>>) dst(%arg8 : memref<512x128xf32, #tpu.memory_space<vmem>>)
    %dma_wait3A_45 = tpu.memref_slice %arg3[%select_n3A_32, %mul3A_34] : memref<8192x128xf32, #tpu.memory_space<hbm>> -> memref<512x64xf32, #tpu.memory_space<hbm>>
    %dma_wait3A_46 = tpu.memref_slice %arg3[%select_n3A_32, %mul3A_34] : memref<8192x128xf32, #tpu.memory_space<hbm>> -> memref<512x64xf32, #tpu.memory_space<hbm>>
    tpu.wait_dma2 semaphore(%arg13 : memref<!tpu.dma_semaphore, #tpu.memory_space<semaphore_mem>>) src(%dma_wait3A_46 : memref<512x64xf32, #tpu.memory_space<hbm>>) dst(%arg9 : memref<512x64xf32, #tpu.memory_space<vmem>>)
    %dma_wait3A_47 = arith.constant 0 : i32
    %dma_wait3A_48 = tpu.memref_slice %arg10[%dma_wait3A_47] : memref<528xf32, #tpu.memory_space<vmem>> -> memref<512xf32, #tpu.memory_space<vmem>>
    %dma_wait3A_49 = arith.constant 0 : i32
    %dma_wait3A_50 = tpu.memref_slice %arg5[%dma_wait3A_49] : memref<100000xf32, #tpu.memory_space<hbm>> -> memref<100000xf32, #tpu.memory_space<hbm>>
    tpu.wait_indirect_dma semaphore(%arg12 : memref<!tpu.dma_semaphore, #tpu.memory_space<semaphore_mem>>) src(%dma_wait3A_50 : memref<100000xf32, #tpu.memory_space<hbm>>) dst(%dma_wait3A_48 : memref<512xf32, #tpu.memory_space<vmem>>)
    %broadcast_in_dim3A = arith.constant 15 : i32
    %broadcast_in_dim3A_51 = vector.broadcast %broadcast_in_dim3A : i32 to vector<16xi32>
    %broadcast_in_dim3A_52 = arith.constant 0 : i32
    %broadcast_in_dim3A_53 = vector.broadcast %broadcast_in_dim3A_52 : i32 to vector<16xi32>
    %parallel_loop3A = arith.constant 0 : i32
    %parallel_loop3A_54 = arith.constant 512 : i32
    %parallel_loop3A_55 = arith.constant 1 : i32
    scf.for %parallel_loop3A_56 = %parallel_loop3A to %parallel_loop3A_54 step %parallel_loop3A_55  : i32 {
      %parallel_loop3A_57 = arith.index_cast %parallel_loop3A_56 : i32 to index
      %parallel_loop3A_58 = arith.constant 0 : index
      %parallel_loop3A_59 = tpu.vector_load %arg9[%parallel_loop3A_57, %parallel_loop3A_58] {strides = array<i32>} : memref<512x64xf32, #tpu.memory_space<vmem>>, vector<16xf32>,
      %parallel_loop3A_60 = arith.index_cast %parallel_loop3A_56 : i32 to index
      %parallel_loop3A_61 = arith.constant 16 : index
      %parallel_loop3A_62 = tpu.vector_load %arg9[%parallel_loop3A_60, %parallel_loop3A_61] {strides = array<i32>} : memref<512x64xf32, #tpu.memory_space<vmem>>, vector<16xf32>,
      %parallel_loop3A_63 = arith.index_cast %parallel_loop3A_56 : i32 to index
      %parallel_loop3A_64 = arith.constant 32 : index
      %parallel_loop3A_65 = tpu.vector_load %arg9[%parallel_loop3A_63, %parallel_loop3A_64] {strides = array<i32>} : memref<512x64xf32, #tpu.memory_space<vmem>>, vector<16xf32>,
      %parallel_loop3A_66 = arith.index_cast %parallel_loop3A_56 : i32 to index
      %parallel_loop3A_67 = arith.constant 48 : index
      %parallel_loop3A_68 = tpu.vector_load %arg9[%parallel_loop3A_66, %parallel_loop3A_67] {strides = array<i32>} : memref<512x64xf32, #tpu.memory_space<vmem>>, vector<16xf32>,
      %parallel_loop3A_69 = arith.index_cast %parallel_loop3A_56 : i32 to index
      %parallel_loop3A_70 = arith.constant 0 : index
      %parallel_loop3A_71 = tpu.vector_load %arg8[%parallel_loop3A_69, %parallel_loop3A_70] {strides = array<i32>} : memref<512x128xf32, #tpu.memory_space<vmem>>, vector<16xf32>,
      %parallel_loop3A_72 = arith.index_cast %parallel_loop3A_56 : i32 to index
      %parallel_loop3A_73 = arith.constant 16 : index
      %parallel_loop3A_74 = tpu.vector_load %arg8[%parallel_loop3A_72, %parallel_loop3A_73] {strides = array<i32>} : memref<512x128xf32, #tpu.memory_space<vmem>>, vector<16xf32>,
      %parallel_loop3A_75 = arith.index_cast %parallel_loop3A_56 : i32 to index
      %parallel_loop3A_76 = arith.constant 32 : index
      %parallel_loop3A_77 = tpu.vector_load %arg8[%parallel_loop3A_75, %parallel_loop3A_76] {strides = array<i32>} : memref<512x128xf32, #tpu.memory_space<vmem>>, vector<16xf32>,
      %parallel_loop3A_78 = arith.index_cast %parallel_loop3A_56 : i32 to index
      %parallel_loop3A_79 = arith.constant 48 : index
      %parallel_loop3A_80 = tpu.vector_load %arg8[%parallel_loop3A_78, %parallel_loop3A_79] {strides = array<i32>} : memref<512x128xf32, #tpu.memory_space<vmem>>, vector<16xf32>,
      %parallel_loop3A_81 = arith.index_cast %parallel_loop3A_56 : i32 to index
      %parallel_loop3A_82 = arith.constant 64 : index
      %parallel_loop3A_83 = tpu.vector_load %arg8[%parallel_loop3A_81, %parallel_loop3A_82] {strides = array<i32>} : memref<512x128xf32, #tpu.memory_space<vmem>>, vector<16xf32>,
      %parallel_loop3A_84 = arith.index_cast %parallel_loop3A_56 : i32 to index
      %parallel_loop3A_85 = arith.constant 80 : index
      %parallel_loop3A_86 = tpu.vector_load %arg8[%parallel_loop3A_84, %parallel_loop3A_85] {strides = array<i32>} : memref<512x128xf32, #tpu.memory_space<vmem>>, vector<16xf32>,
      %parallel_loop3A_87 = arith.index_cast %parallel_loop3A_56 : i32 to index
      %parallel_loop3A_88 = arith.constant 96 : index
      %parallel_loop3A_89 = tpu.vector_load %arg8[%parallel_loop3A_87, %parallel_loop3A_88] {strides = array<i32>} : memref<512x128xf32, #tpu.memory_space<vmem>>, vector<16xf32>,
      %parallel_loop3A_90 = arith.index_cast %parallel_loop3A_56 : i32 to index
      %parallel_loop3A_91 = arith.constant 112 : index
      %parallel_loop3A_92 = tpu.vector_load %arg8[%parallel_loop3A_90, %parallel_loop3A_91] {strides = array<i32>} : memref<512x128xf32, #tpu.memory_space<vmem>>, vector<16xf32>,
      %parallel_loop3A_93 = arith.mulf %parallel_loop3A_71, %parallel_loop3A_59 : vector<16xf32>
      %parallel_loop3A_94 = arith.mulf %parallel_loop3A_74, %parallel_loop3A_62 : vector<16xf32>
      %parallel_loop3A_95 = arith.addf %parallel_loop3A_93, %parallel_loop3A_94 : vector<16xf32>
      %parallel_loop3A_96 = arith.mulf %parallel_loop3A_77, %parallel_loop3A_65 : vector<16xf32>
      %parallel_loop3A_97 = arith.mulf %parallel_loop3A_80, %parallel_loop3A_68 : vector<16xf32>
      %parallel_loop3A_98 = arith.addf %parallel_loop3A_96, %parallel_loop3A_97 : vector<16xf32>
      %parallel_loop3A_99 = arith.addf %parallel_loop3A_95, %parallel_loop3A_98 : vector<16xf32>
      %parallel_loop3A_100 = arith.constant true
      %parallel_loop3A_101 = vector.broadcast %parallel_loop3A_100 : i1 to vector<16xi1>
      %parallel_loop3A_102 = tpu.scan <sum>, %parallel_loop3A_99 masked %parallel_loop3A_101 : vector<16xf32>, vector<16xi1> -> vector<16xf32>
      %parallel_loop3A_103 = arith.constant 0 : i32
      %parallel_loop3A_104 = vector.broadcast %parallel_loop3A_103 : i32 to vector<16xi32>
      %parallel_loop3A_105 = arith.cmpi slt, %broadcast_in_dim3A_51, %parallel_loop3A_104 : vector<16xi32>
      %parallel_loop3A_106 = arith.constant 16 : i32
      %parallel_loop3A_107 = vector.broadcast %parallel_loop3A_106 : i32 to vector<16xi32>
      %parallel_loop3A_108 = arith.addi %broadcast_in_dim3A_51, %parallel_loop3A_107 : vector<16xi32>
      %parallel_loop3A_109 = arith.select %parallel_loop3A_105, %parallel_loop3A_108, %broadcast_in_dim3A_51 : vector<16xi1>, vector<16xi32>
      %parallel_loop3A_110 = vector.shape_cast %parallel_loop3A_109 : vector<16xi32> to vector<16x1xi32>
      %parallel_loop3A_111 = vector.shape_cast %parallel_loop3A_110 : vector<16x1xi32> to vector<16xi32>
      %parallel_loop3A_112 = tpu.dynamic_gather %parallel_loop3A_102[%parallel_loop3A_111] in [0] : vector<16xf32>, vector<16xi32> -> vector<16xf32>
      %parallel_loop3A_113 = arith.index_cast %parallel_loop3A_56 : i32 to index
      %parallel_loop3A_114 = tpu.vector_load %arg10[%parallel_loop3A_113] {strides = array<i32>} : memref<528xf32, #tpu.memory_space<vmem>>, vector<16xf32>,
      %parallel_loop3A_115 = arith.constant 0 : i32
      %parallel_loop3A_116 = vector.broadcast %parallel_loop3A_115 : i32 to vector<16xi32>
      %parallel_loop3A_117 = arith.cmpi slt, %broadcast_in_dim3A_53, %parallel_loop3A_116 : vector<16xi32>
      %parallel_loop3A_118 = arith.constant 16 : i32
      %parallel_loop3A_119 = vector.broadcast %parallel_loop3A_118 : i32 to vector<16xi32>
      %parallel_loop3A_120 = arith.addi %broadcast_in_dim3A_53, %parallel_loop3A_119 : vector<16xi32>
      %parallel_loop3A_121 = arith.select %parallel_loop3A_117, %parallel_loop3A_120, %broadcast_in_dim3A_53 : vector<16xi1>, vector<16xi32>
      %parallel_loop3A_122 = vector.shape_cast %parallel_loop3A_121 : vector<16xi32> to vector<16x1xi32>
      %parallel_loop3A_123 = vector.shape_cast %parallel_loop3A_122 : vector<16x1xi32> to vector<16xi32>
      %parallel_loop3A_124 = tpu.dynamic_gather %parallel_loop3A_114[%parallel_loop3A_123] in [0] : vector<16xf32>, vector<16xi32> -> vector<16xf32>
      %parallel_loop3A_125 = arith.addf %parallel_loop3A_112, %parallel_loop3A_124 : vector<16xf32>
      %parallel_loop3A_126 = arith.addf %parallel_loop3A_125, %parallel_loop3A_125 : vector<16xf32>
      %parallel_loop3A_127 = math.exp %parallel_loop3A_126 : vector<16xf32>
      %parallel_loop3A_128 = arith.constant 1.000000e+00 : f32
      %parallel_loop3A_129 = vector.broadcast %parallel_loop3A_128 : f32 to vector<16xf32>
      %parallel_loop3A_130 = arith.addf %parallel_loop3A_127, %parallel_loop3A_129 : vector<16xf32>
      %parallel_loop3A_131 = arith.constant 2.000000e+00 : f32
      %parallel_loop3A_132 = vector.broadcast %parallel_loop3A_131 : f32 to vector<16xf32>
      %parallel_loop3A_133 = arith.divf %parallel_loop3A_132, %parallel_loop3A_130 : vector<16xf32>
      %parallel_loop3A_134 = arith.constant 1.000000e+00 : f32
      %parallel_loop3A_135 = vector.broadcast %parallel_loop3A_134 : f32 to vector<16xf32>
      %parallel_loop3A_136 = arith.subf %parallel_loop3A_135, %parallel_loop3A_133 : vector<16xf32>
      %parallel_loop3A_137 = arith.mulf %parallel_loop3A_83, %parallel_loop3A_136 : vector<16xf32>
      %parallel_loop3A_138 = arith.addf %parallel_loop3A_59, %parallel_loop3A_137 : vector<16xf32>
      %parallel_loop3A_139 = arith.index_cast %parallel_loop3A_56 : i32 to index
      %parallel_loop3A_140 = arith.constant 0 : index
      %parallel_loop3A_141 = tpu.vector_load %arg8[%parallel_loop3A_139, %parallel_loop3A_140] {strides = array<i32>} : memref<512x128xf32, #tpu.memory_space<vmem>>, vector<16xf32>,
      tpu.vector_store %arg8[%parallel_loop3A_139, %parallel_loop3A_140], %parallel_loop3A_138 {strides = array<i32>} : memref<512x128xf32, #tpu.memory_space<vmem>>, vector<16xf32>,
      %parallel_loop3A_142 = arith.mulf %parallel_loop3A_86, %parallel_loop3A_136 : vector<16xf32>
      %parallel_loop3A_143 = arith.addf %parallel_loop3A_62, %parallel_loop3A_142 : vector<16xf32>
      %parallel_loop3A_144 = arith.index_cast %parallel_loop3A_56 : i32 to index
      %parallel_loop3A_145 = arith.constant 16 : index
      %parallel_loop3A_146 = tpu.vector_load %arg8[%parallel_loop3A_144, %parallel_loop3A_145] {strides = array<i32>} : memref<512x128xf32, #tpu.memory_space<vmem>>, vector<16xf32>,
      tpu.vector_store %arg8[%parallel_loop3A_144, %parallel_loop3A_145], %parallel_loop3A_143 {strides = array<i32>} : memref<512x128xf32, #tpu.memory_space<vmem>>, vector<16xf32>,
      %parallel_loop3A_147 = arith.mulf %parallel_loop3A_89, %parallel_loop3A_136 : vector<16xf32>
      %parallel_loop3A_148 = arith.addf %parallel_loop3A_65, %parallel_loop3A_147 : vector<16xf32>
      %parallel_loop3A_149 = arith.index_cast %parallel_loop3A_56 : i32 to index
      %parallel_loop3A_150 = arith.constant 32 : index
      %parallel_loop3A_151 = tpu.vector_load %arg8[%parallel_loop3A_149, %parallel_loop3A_150] {strides = array<i32>} : memref<512x128xf32, #tpu.memory_space<vmem>>, vector<16xf32>,
      tpu.vector_store %arg8[%parallel_loop3A_149, %parallel_loop3A_150], %parallel_loop3A_148 {strides = array<i32>} : memref<512x128xf32, #tpu.memory_space<vmem>>, vector<16xf32>,
      %parallel_loop3A_152 = arith.mulf %parallel_loop3A_92, %parallel_loop3A_136 : vector<16xf32>
      %parallel_loop3A_153 = arith.addf %parallel_loop3A_68, %parallel_loop3A_152 : vector<16xf32>
      %parallel_loop3A_154 = arith.index_cast %parallel_loop3A_56 : i32 to index
      %parallel_loop3A_155 = arith.constant 48 : index
      %parallel_loop3A_156 = tpu.vector_load %arg8[%parallel_loop3A_154, %parallel_loop3A_155] {strides = array<i32>} : memref<512x128xf32, #tpu.memory_space<vmem>>, vector<16xf32>,
      tpu.vector_store %arg8[%parallel_loop3A_154, %parallel_loop3A_155], %parallel_loop3A_153 {strides = array<i32>} : memref<512x128xf32, #tpu.memory_space<vmem>>, vector<16xf32>,
    } {sc.loop_unroll_factor = 8 : i64, sc.parallel_access}
    "tpu.region"() ({
      %run_scoped3A = tpu.sem_alloc : memref<!tpu.dma_semaphore, #tpu.memory_space<semaphore_mem>>
      %dma_start3A_56 = arith.constant 0 : i32
      %dma_start3A_57 = tpu.memref_slice %arg6[%mul3A_2, %dma_start3A_56] : memref<16384x128xf32, #tpu.memory_space<hbm>> -> memref<512x128xf32, #tpu.memory_space<hbm>>
      %dma_start3A_58 = arith.constant 0 : i32
      %dma_start3A_59 = tpu.memref_slice %arg6[%mul3A_2, %dma_start3A_58] : memref<16384x128xf32, #tpu.memory_space<hbm>> -> memref<512x128xf32, #tpu.memory_space<hbm>>
      tpu.enqueue_dma source(%arg8 : memref<512x128xf32, #tpu.memory_space<vmem>>) target(%dma_start3A_59 : memref<512x128xf32, #tpu.memory_space<hbm>>) target_semaphore(%run_scoped3A : memref<!tpu.dma_semaphore, #tpu.memory_space<semaphore_mem>>)
      %dma_wait3A_60 = arith.constant 0 : i32
      %dma_wait3A_61 = tpu.memref_slice %arg6[%mul3A_2, %dma_wait3A_60] : memref<16384x128xf32, #tpu.memory_space<hbm>> -> memref<512x128xf32, #tpu.memory_space<hbm>>
      %dma_wait3A_62 = arith.constant 0 : i32
      %dma_wait3A_63 = tpu.memref_slice %arg6[%mul3A_2, %dma_wait3A_62] : memref<16384x128xf32, #tpu.memory_space<hbm>> -> memref<512x128xf32, #tpu.memory_space<hbm>>
      tpu.wait_dma2 semaphore(%run_scoped3A : memref<!tpu.dma_semaphore, #tpu.memory_space<semaphore_mem>>) src(%arg8 : memref<512x128xf32, #tpu.memory_space<vmem>>) dst(%dma_wait3A_63 : memref<512x128xf32, #tpu.memory_space<hbm>>)
      tpu.yield
    }) : () -> ()
    return
  }
}

module attributes {stable_mosaic.version = 14 : i64} {
  func.func @_s_body(%arg0: i32, %arg1: memref<64x2048xf32, #tpu.memory_space<vmem>>, %arg2: memref<64x2048xf32, #tpu.memory_space<vmem>>, %arg3: memref<2048x128xf32, #tpu.memory_space<vmem>>) attributes {dimension_semantics = [#tpu.dimension_semantics<arbitrary>], iteration_bounds = array<i64: 4>, scalar_prefetch = 0 : i64, scratch_operands = 0 : i64, tpu.core_type = #tpu.core_type<tc>, window_params = [{transform_indices = @transform_0, window_bounds = array<i64: 64, 2048>}, {transform_indices = @transform_1, window_bounds = array<i64: 64, 2048>}, {transform_indices = @transform_2, window_bounds = array<i64: 2048, 128>}]} {
    %get3A = arith.constant 0 : index
    %get3A_0 = arith.constant 0 : index
    %get3A_1 = vector.load %arg1[%get3A, %get3A_0] : memref<64x2048xf32, #tpu.memory_space<vmem>>, vector<64x2048xf32>
    %transpose3A = tpu.transpose %get3A_1, [1, 0] : vector<64x2048xf32> -> vector<2048x64xf32>
    %swap3A = arith.constant 0 : index
    %swap3A_2 = arith.constant 0 : index
    %swap3A_3 = vector.load %arg3[%swap3A, %swap3A_2] : memref<2048x128xf32, #tpu.memory_space<vmem>>, vector<2048x64xf32>
    tpu.vector_store %arg3[%swap3A, %swap3A_2], %transpose3A {strides = array<i32>} : memref<2048x128xf32, #tpu.memory_space<vmem>>, vector<2048x64xf32>,
    %get3A_4 = arith.constant 0 : index
    %get3A_5 = arith.constant 0 : index
    %get3A_6 = vector.load %arg2[%get3A_4, %get3A_5] : memref<64x2048xf32, #tpu.memory_space<vmem>>, vector<64x2048xf32>
    %transpose3A_7 = tpu.transpose %get3A_6, [1, 0] : vector<64x2048xf32> -> vector<2048x64xf32>
    %swap3A_8 = arith.constant 0 : index
    %swap3A_9 = arith.constant 64 : index
    %swap3A_10 = vector.load %arg3[%swap3A_8, %swap3A_9] : memref<2048x128xf32, #tpu.memory_space<vmem>>, vector<2048x64xf32>
    tpu.vector_store %arg3[%swap3A_8, %swap3A_9], %transpose3A_7 {strides = array<i32>} : memref<2048x128xf32, #tpu.memory_space<vmem>>, vector<2048x64xf32>,
    return
  }
  func.func @transform_0(%arg0: i32) -> (i32, i32) {
    %c0_i32 = arith.constant 0 : i32
    %c0_i32_0 = arith.constant 0 : i32
    return %c0_i32, %arg0 : i32, i32
  }
  func.func @transform_1(%arg0: i32) -> (i32, i32) {
    %add3A = arith.constant 4 : i32
    %add3A_0 = arith.addi %arg0, %add3A : i32
    %c0_i32 = arith.constant 0 : i32
    %c0_i32_1 = arith.constant 0 : i32
    return %c0_i32, %add3A_0 : i32, i32
  }
  func.func @transform_2(%arg0: i32) -> (i32, i32) {
    %c0_i32 = arith.constant 0 : i32
    %c0_i32_0 = arith.constant 0 : i32
    return %arg0, %c0_i32 : i32, i32
  }
}

module attributes {stable_mosaic.version = 14 : i64} {
  func.func @_post_body(%arg0: i32, %arg1: memref<2048x128xf32, #tpu.memory_space<vmem>>, %arg2: memref<64x2048xf32, #tpu.memory_space<vmem>>) attributes {dimension_semantics = [#tpu.dimension_semantics<arbitrary>], iteration_bounds = array<i64: 8>, scalar_prefetch = 0 : i64, scratch_operands = 0 : i64, tpu.core_type = #tpu.core_type<tc>, window_params = [{transform_indices = @transform_0, window_bounds = array<i64: 2048, 128>}, {transform_indices = @transform_1, window_bounds = array<i64: 64, 2048>}]} {
    %get3A = arith.constant 0 : index
    %get3A_0 = arith.constant 0 : index
    %get3A_1 = vector.load %arg1[%get3A, %get3A_0] : memref<2048x128xf32, #tpu.memory_space<vmem>>, vector<2048x64xf32>
    %transpose3A = tpu.transpose %get3A_1, [1, 0] : vector<2048x64xf32> -> vector<64x2048xf32>
    %swap3A = arith.constant 0 : index
    %swap3A_2 = arith.constant 0 : index
    %swap3A_3 = vector.load %arg2[%swap3A, %swap3A_2] : memref<64x2048xf32, #tpu.memory_space<vmem>>, vector<64x2048xf32>
    tpu.vector_store %arg2[%swap3A, %swap3A_2], %transpose3A {strides = array<i32>} : memref<64x2048xf32, #tpu.memory_space<vmem>>, vector<64x2048xf32>,
    return
  }
  func.func @transform_0(%arg0: i32) -> (i32, i32) {
    %c0_i32 = arith.constant 0 : i32
    %c0_i32_0 = arith.constant 0 : i32
    return %arg0, %c0_i32 : i32, i32
  }
  func.func @transform_1(%arg0: i32) -> (i32, i32) {
    %c0_i32 = arith.constant 0 : i32
    %c0_i32_0 = arith.constant 0 : i32
    return %c0_i32, %arg0 : i32, i32
  }
}

module attributes {stable_mosaic.version = 14 : i64} {
  func.func @_fuse_body(%arg0: i32, %arg1: memref<64x8192xf32, #tpu.memory_space<vmem>>, %arg2: memref<64x8192xf32, #tpu.memory_space<vmem>>, %arg3: memref<8192x128xf32, #tpu.memory_space<vmem>>) attributes {dimension_semantics = [#tpu.dimension_semantics<arbitrary>], iteration_bounds = array<i64: 13>, scalar_prefetch = 0 : i64, scratch_operands = 0 : i64, tpu.core_type = #tpu.core_type<tc>, window_params = [{transform_indices = @transform_0, window_bounds = array<i64: 64, 8192>}, {transform_indices = @transform_1, window_bounds = array<i64: 64, 8192>}, {transform_indices = @transform_2, window_bounds = array<i64: 8192, 128>}]} {
    %get3A = arith.constant 0 : index
    %get3A_0 = arith.constant 0 : index
    %get3A_1 = vector.load %arg1[%get3A, %get3A_0] : memref<64x8192xf32, #tpu.memory_space<vmem>>, vector<64x8192xf32>
    %transpose3A = tpu.transpose %get3A_1, [1, 0] : vector<64x8192xf32> -> vector<8192x64xf32>
    %get3A_2 = arith.constant 0 : index
    %get3A_3 = arith.constant 0 : index
    %get3A_4 = vector.load %arg2[%get3A_2, %get3A_3] : memref<64x8192xf32, #tpu.memory_space<vmem>>, vector<64x8192xf32>
    %transpose3A_5 = tpu.transpose %get3A_4, [1, 0] : vector<64x8192xf32> -> vector<8192x64xf32>
    %concatenate3A = tpu.concatenate %transpose3A, %transpose3A_5 in 1 : vector<8192x64xf32>, vector<8192x64xf32> -> vector<8192x128xf32>
    %swap3A = arith.constant 0 : index
    %swap3A_6 = arith.constant 0 : index
    %swap3A_7 = vector.load %arg3[%swap3A, %swap3A_6] : memref<8192x128xf32, #tpu.memory_space<vmem>>, vector<8192x128xf32>
    tpu.vector_store %arg3[%swap3A, %swap3A_6], %concatenate3A {strides = array<i32>} : memref<8192x128xf32, #tpu.memory_space<vmem>>, vector<8192x128xf32>,
    return
  }
  func.func @transform_0(%arg0: i32) -> (i32, i32) {
    %c0_i32 = arith.constant 0 : i32
    %c0_i32_0 = arith.constant 0 : i32
    return %c0_i32, %arg0 : i32, i32
  }
  func.func @transform_1(%arg0: i32) -> (i32, i32) {
    %c0_i32 = arith.constant 0 : i32
    %c0_i32_0 = arith.constant 0 : i32
    return %c0_i32, %arg0 : i32, i32
  }
  func.func @transform_2(%arg0: i32) -> (i32, i32) {
    %c0_i32 = arith.constant 0 : i32
    %c0_i32_0 = arith.constant 0 : i32
    return %arg0, %c0_i32 : i32, i32
  }
}

</mosaic_0001>

<sc_bundles>
// kernel: kernel.6.cloned.1.call-start
scs
__scs_entry_jumppad:
0x0: {  	(pc) =	sbr.rel $0x88, $3  }
0x1: {  	(tag) =	ssettag $0x0;
	lr =	simm.s32 $0x1  }
0x2: {  	[smem:$0x3F9C] =	sst lr;
	_ =	strace $0xD0000000  }
0x3: {  	_ = 	snop  }
0x4: {  	_ = 	snop  }
0x5: {  	_ = 	snop  }
0x6: {  	_ = 	snop  }
0x7: {  	_ = 	snop  }
__scs_overlays_trampoline_lowered:
0x8: {  	[smem:$0x3FAB] =	sst s0  }
0x9: {  	[smem:$0x3FAC] =	sst s1  }
0xa: {  	[smem:$0x3FAD] =	sst s2  }
0xb: {  	[smem:$0x3FAE] =	sst s3  }
0xc: {  	[smem:$0x3FAF] =	sst s4  }
0xd: {  	[smem:$0x3FB0] =	sst s5  }
0xe: {  	[smem:$0x3FB1] =	sst s6  }
0xf: {  	[smem:$0x3FB2] =	sst s7  }
0x10: {  	[smem:$0x3FB3] =	sst s8  }
0x11: {  	[smem:$0x3FB4] =	sst s9;
	s0 =	simm.s32 @!p0 $0x0  }
0x12: {  	s1 =	sld [smem:$0x3F9A];
	s0 =	simm.s32 @p0 $0x1  }
0x13: {  	[smem:$0x3FB5] =	sst s0;
	s0 =	simm.s32 @!p1 $0x0  }
0x14: {  	s2 =	sld [smem:$0x3F99];
	s0 =	simm.s32 @p1 $0x1  }
0x15: {  	[smem:$0x3FB6] =	sst s0;
	s0 =	simm.s32 @!p2 $0x0  }
0x16: {  	s3 =	sld [smem:$0x3FDB];
	s0 =	simm.s32 @p2 $0x1  }
0x17: {  	s4 =	simm.s32 $0x1BF5;
	[smem:$0x3FB8] =	sst s0  }
0x18: {  	s0 =	sld [smem:$0x3F9B];
	_ =	swait.ge [sflag:s4], $0x0  }
0x19: {  	s7 =	sld [smem:$0x3F9C]  }
0x1a: {  	s8 =	sadd.s32 $0xFFFFE003, lr  }
0x1b: {  	s9 =	sadd.s32 $0xFFFFFEF7, lr;
	s5 =	simm.s32 $0xFFFFFFFF;
	p2 =	slt.u32 s8, $0xFFFFF086  }
0x1c: {  	p1 =	slt.u32 s9, $0xF7A;
	s5 =	simm.s32 @!p2 $0x0  }
0x1d: {  	s5 =	simm.s32 @p1 $0x1;
	p0 =	seq.s32 s7, s2  }
0x1e: {  	s7 =	smul.u32 @!p0 $0xF7A, s2;
	p2 =	seq.s32 @!p0 s5, $0x0  }
0x1f: {  	s9 =	smul.u32 $0xF7A, s1;
	s8 =	simm.s32 @!p0 $0x1BF5;
	p2 =	por !p2, p0  }
0x20: {  	[sflag:s8] =	ssyncset.s32 @!p0 $0xFFFFF086;
	s6 =	sadd.s32 @!p0 s3, s7;
	s7 =	simm.s32 @!p0 $0x108  }
0x21: {  	s3 =	sadd.s32 s3, s9;
	s6 =	sadd.s32 @!p0 $0x88, s6;
	s7 =	simm.s32 @p2 $0x1082  }
0x22: {  	[simem:s7], [sflag:s8] =	dma.local @!p0 [hbm:s6], $0xF7A  }
0x23: {  	s9 =	sor.u32 $0xD0000000, s2;
	s6 =	simm.s32 $0x108;
	_ =	swait.ge @!p0 [sflag:s8], $0x0  }
0x24: {  	s3 =	sadd.s32 $0x88, s3;
	s6 =	simm.s32 @!p1 $0x1082;
	[sflag:s4] =	ssyncset.s32 $0xFFFFF086  }
0x25: {  	[simem:s6], [sflag:s4] =	dma.local [hbm:s3], $0xF7A  }
0x26: {  	[smem:$0x3F9C] =	sst s1;
	(tag) =	ssettag s2;
	_ =	strace s9  }
0x27: {  	s1 =	sld [smem:$0x3FAC]  }
0x28: {  	s2 =	sld [smem:$0x3FAD]  }
0x29: {  	s4 =	sld [smem:$0x3FAF]  }
0x2a: {  	p0 =	seq.s32 s5, $0x0;
	s5 =	sld [smem:$0x3FB0]  }
0x2b: {  	s6 =	sld [smem:$0x3FB1]  }
0x2c: {  	s7 =	sld [smem:$0x3FB2]  }
0x2d: {  	s3 =	simm.s32 $0x108;
	s8 =	sld [smem:$0x3FB3]  }
0x2e: {  	s3 =	simm.s32 @!p0 $0x1082;
	s9 =	sld [smem:$0x3FB4]  }
0x2f: {  	lr =	sadd.s32 s0, s3;
	s0 =	sld [smem:$0x3FAB]  }
0x30: {  	s3 =	sld [smem:$0x3FAE]  }
0x31: {  	[smem:$0x3FB7] =	sst s10  }
0x32: {  	s10 =	sld [smem:$0x3FB5];
	_ =	sdelay $0x3  }
0x33: {  	p0 =	seq.s32 s10, $0x1;
	s10 =	sld [smem:$0x3FB7];
	_ =	sdelay $0x3  }
0x34: {  	[smem:$0x3FB7] =	sst s10  }
0x35: {  	s10 =	sld [smem:$0x3FB6];
	_ =	sdelay $0x3  }
0x36: {  	p1 =	seq.s32 s10, $0x1;
	s10 =	sld [smem:$0x3FB7];
	_ =	sdelay $0x3  }
0x37: {  	[smem:$0x3FB7] =	sst s10  }
0x38: {  	s10 =	sld [smem:$0x3FB8]  }
0x39: {  	_ = 	snop;
	(pc) =	sbr.ind lr, $3  }
0x3a: {  	_ = 	snop  }
0x3b: {  	_ = 	snop  }
0x3c: {  	p2 =	seq.s32 s10, $0x1;
	s10 =	sld [smem:$0x3FB7]  }
0x3d: {  	_ =	shalt  }
0x3e: {  	_ =	shalt  }
0x3f: {  	_ =	shalt  }
0x40: {  	_ =	shalt  }
0x41: {  	_ =	shalt  }
0x42: {  	_ =	shalt  }
0x43: {  	_ =	shalt  }
0x44: {  	_ =	shalt  }
0x45: {  	_ =	shalt  }
0x46: {  	_ =	shalt  }
0x47: {  	_ =	shalt  }
0x48: {  	_ =	shalt  }
0x49: {  	_ =	shalt  }
0x4a: {  	_ =	shalt  }
0x4b: {  	_ =	shalt  }
0x4c: {  	_ =	shalt  }
0x4d: {  	_ =	shalt  }
0x4e: {  	_ =	shalt  }
0x4f: {  	_ =	shalt  }
0x50: {  	_ =	shalt  }
0x51: {  	_ =	shalt  }
0x52: {  	_ =	shalt  }
0x53: {  	_ =	shalt  }
0x54: {  	_ =	shalt  }
0x55: {  	_ =	shalt  }
0x56: {  	_ =	shalt  }
0x57: {  	_ =	shalt  }
0x58: {  	_ =	shalt  }
0x59: {  	_ =	shalt  }
0x5a: {  	_ =	shalt  }
0x5b: {  	_ =	shalt  }
0x5c: {  	_ =	shalt  }
0x5d: {  	_ =	shalt  }
0x5e: {  	_ =	shalt  }
0x5f: {  	_ =	shalt  }
0x60: {  	_ =	shalt  }
0x61: {  	_ =	shalt  }
0x62: {  	_ =	shalt  }
0x63: {  	_ =	shalt  }
0x64: {  	_ =	shalt  }
0x65: {  	_ =	shalt  }
0x66: {  	_ =	shalt  }
0x67: {  	_ =	shalt  }
0x68: {  	_ =	shalt  }
0x69: {  	_ =	shalt  }
0x6a: {  	_ =	shalt  }
0x6b: {  	_ =	shalt  }
0x6c: {  	_ =	shalt  }
0x6d: {  	_ =	shalt  }
0x6e: {  	_ =	shalt  }
0x6f: {  	_ =	shalt  }
0x70: {  	_ =	shalt  }
0x71: {  	_ =	shalt  }
0x72: {  	_ =	shalt  }
0x73: {  	_ =	shalt  }
0x74: {  	_ =	shalt  }
0x75: {  	_ =	shalt  }
0x76: {  	_ =	shalt  }
0x77: {  	_ =	shalt  }
0x78: {  	_ =	shalt  }
0x79: {  	_ =	shalt  }
0x7a: {  	_ =	shalt  }
0x7b: {  	_ =	shalt  }
0x7c: {  	_ =	shalt  }
0x7d: {  	_ =	shalt  }
0x7e: {  	_ =	shalt  }
0x7f: {  	_ =	shalt  }
0x80: {  	_ =	shalt  }
0x81: {  	_ =	shalt  }
0x82: {  	_ =	shalt  }
0x83: {  	_ =	shalt  }
0x84: {  	_ =	shalt  }
0x85: {  	_ =	shalt  }
0x86: {  	_ =	shalt  }
0x87: {  	_ =	shalt  }
.Lfunc_end0:
.L_simem_size_0:
called_computation_lowered:
.L_overlay_start_0:
0x88: {  	s2 =	sld [smem:$0x3FD9]  }
0x89: {  	s3 =	sld [smem:$0x3FFE];
	_ =	sdelay $0x1  }
0x8a: {  	s1 =	srdreg.scid  }
0x8b: {  	s0 =	sand.u32 $0x1, s1  }
0x8c: {  	s17 =	sshll.u32 s0, $0xA;
	s2 =	sadd.s32 s3, s2  }
0x8d: {  	s2 =	sadd.s32 s2, s17  }
0x8e: {  	[smem:$0x3FC3] =	sst s2  }
0x8f: {  	_ = 	snop  }
0x90: {  	s2 =	sld [smem:$0x3FC9]  }
0x91: {  	s18 =	sld [smem:$0x3FC6]  }
0x92: {  	s4 =	sld [smem:$0x3FD0];
	(tm) =	ssettm $0x1  }
0x93: {  	s5 =	sld [smem:$0x3FFB];
	_ =	sdelay $0x3  }
0x94: {  	_ =	strace s5  }
0x95: {  	s5 =	sld [smem:$0x3FFC];
	_ =	sdelay $0x3  }
0x96: {  	_ =	strace s5  }
0x97: {  	s5 =	sld [smem:$0x3FFD];
	_ =	sdelay $0x3  }
0x98: {  	_ =	strace s5  }
0x99: {  	_ =	strace $0x8FFFFFFF  }
0x9a: {  	s19 =	sld [smem:$0x3FDB];
	_ =	sdelay $0x1  }
0x9b: {  	s6 =	simm.s32 $_scs_section_size  }
0x9c: {  	s7 =	simm.s32 $_size__tile_overlayer_lowered;
	s8 =	simm.s32 $_tile_overlayer_lowered  }
0x9d: {  	s22 =	simm.s32 $0x1BFF;
	s21 =	sshll.u32 s8, $0x1;
	s5 =	sadd.s32 s6, s19  }
0x9e: {  	s9 =	simm.s32 $0x0;
	s20 =	sshll.u32 s7, $0x1;
	s7 =	sadd.s32 s21, s5  }
0x9f: {  	[timem:s9], [sflag:s22] =	dma.local [hbm:s7], s20  }
0xa0: {  	_ =	swait.ge [sflag:s22], s20  }
0xa1: {  	s6 =	ssub.s32 $0x0, s20;
	[sflag:s22] =	ssyncset.done $0x0  }
0xa2: {  	[sflag:s22] =	ssyncadd.s32 s6;
	_ =	sdelay $0x1  }
0xa3: {  	s23 =	simm.s32 $0x1B8B  }
0xa4: {  	_ =	swait.ge [sflag:s23], $0x1  }
0xa5: {  	[sflag:s23] =	ssyncset.done $0x0  }
0xa6: {  	s25 =	simm.s32 $0x1B8E;
	s24 =	sld [smem:$0x3FFE];
	[sflag:s23] =	ssyncadd.s32 $0xFFFFFFFF  }
0xa7: {  	s26 =	simm.s32 $execute0_lowered;
	[smem:$0x3FD2] =	sst s25  }
0xa8: {  	s7 =	sshll.u32 s26, $0x1;
	_ =	strace $0x80000046;
	[dreg:$0x1] =	wrdreg $0xFFFFFFFF  }
0xa9: {  	s28 =	simm.s32 $_size_execute0_lowered;
	s5 =	sadd.s32 s5, s7;
	[dreg:$0x0] =	wrdreg $0x0  }
0xaa: {  	s7 =	sshll.u32 s28, $0x1;
	[dreg:$0x2] =	wrdreg s5  }
0xab: {  	[dreg:$0x3] =	wrdreg s7  }
0xac: {  	[dreg:$0x4] =	wrdreg $0xC0  }
0xad: {  	_ =	task [dreg:s9], $0x5FFFF  }
0xae: {  	[dreg:$0x1] =	wrdreg $0xFFFFFFFF  }
0xaf: {  	[dreg:$0x0] =	wrdreg $0x60  }
0xb0: {  	[dreg:$0x2] =	wrdreg s2  }
0xb1: {  	[dreg:$0x3] =	wrdreg s4  }
0xb2: {  	[dreg:$0x4] =	wrdreg s24  }
0xb3: {  	[dreg:$0x5] =	wrdreg s18  }
0xb4: {  	[dreg:$0x6] =	wrdreg $0x9  }
0xb5: {  	_ =	task.clear_ibuf [dreg:s9], $0x7FFFF;
	_ =	strace $0x90000046  }
0xb6: {  	s29 =	simm.s32 $0x9;
	_ =	strace $0x80000048  }
0xb7: {  	_ =	swait.ge [sflag:s29], $0x1  }
0xb8: {  	[sflag:s29] =	ssyncadd.s32 $0xFFFFFFFF  }
0xb9: {  	_ =	strace $0x90000048  }
0xba: {  	_ =	sfence  }
0xbb: {  	s30 =	sld [smem:$0x0];
	_ =	sdelay $0x2  }
0xbc: {  	s31 =	sshll.u32 s1, $0xD;
	s1 =	sshrl.u32 s1, $0x2  }
0xbd: {  	s3 =	sand.u32 $0x4000, s31;
	s1 =	sadd.s32 s1, s30  }
0xbe: {  	s0 =	sor.u32 s3, s0;
	s1 =	sshll.u32 s1, $0x11  }
0xbf: {  	s0 =	sor.u32 s1, s0  }
0xc0: {  	s0 =	sadd.s32 $0x8F2B, s0  }
0xc1: {  	[sflag:s0] =	ssyncadd.remote.s32 $0x1  }
0xc2: {  	_ =	sfence.sel $0xFFFF  }
0xc3: {  	[dreg:$0x0] =	wrdreg $0xFFFFFFFF;
	(pc) =	sbr.abs _section_cstart, $3  }
0xc4: {  	[dreg:$0x1] =	wrdreg $0xFFFFFFFF  }
0xc5: {  	_ =	task.clear_ibuf [dreg:s9], $0x2FFFF;
	_ =	strace $0x9FFFFFFF  }
0xc6: {  	(tm) =	ssettm $0x7FFFFFFF  }
0xc7: {  	_ =	shalt  }
tec
execute0_lowered:
.L_overlay_start_1:
0x0: {  	(tag) =	ssettag $0x1  }
0x1: {  	s5 =	rddreg [dreg:$0x0]  }
0x2: {  	s6 =	rddreg [dreg:$0x1]  }
0x3: {  	s7 =	rddreg [dreg:$0x2]  }
0x4: {  	s2 =	rddreg [dreg:$0x3]  }
0x5: {  	s0 =	rddreg [dreg:$0x4]  }
0x6: {  	s4 =	srdreg.scid;
	s3 =	simm.s32 $0x0;
	s1 =	stileid.u32  }
0x7: {  	s13 =	simm.s32 $0x80;
	s14 =	simm.s32 $0x10200;
	s15 =	simm.s32 $0x1  }
0x8: {  	s16 =	simm.s32 $0x3;
	s17 =	simm.s32 $0x2;
	s18 =	simm.s32 $0x0  }
0x9: {  	s8 =	sand.u32 $0x1, s4;
	[smem:$0x7FF] =	sst s3;
	s31 =	sshll.u32 s1, $0xA  }
0xa: {  	s4 =	sadd.s32 $0xA00, s7;
	s12 =	sand.u32 $0x8, s1;
	s9 =	sshll.u32 s8, $0x9  }
0xb: {  	_ =	strace $0x80000047;
	s8 =	ssub.s32 $0x2, s8;
	s6 =	sadd.s32 s6, s12  }
0xc: {  	s12 =	simm.s32 $0x40;
	s9 =	sor.u32 s9, s31;
	s11 =	sshrl.u32 s8, $0x1  }
0xd: {  	s10 =	sshll.u32 s9, $0x4;
	s9 =	sshrl.u32 s9, $0x3;
	s8 =	ssub.s32 s8, s11  }
0xe: {  	s11 =	simm.s32 $0x18200;
	s7 =	sadd.s32 s10, s7;
	s10 =	sand.u32 $0x1E000, s10  }
0xf: {  	s5 =	sadd.s32 s5, s9;
	s8 =	smax.u32 s8, $0x1;
	s9 =	simm.s32 $0x4  }
0x10: {  	v5 =	vimm.s32 $0xF;
	v7 =	vimm.s32 $0x0;
	s6 =	sadd.s32 s10, s6;
	s7 =	sadd.s32 $0x1A0A00, s7;
	s10 =	simm.s32 $0x200  }
.LBB2_1:
0x11: {  	[tilespmem:s3], [sflag:$0x4] =	stream.linear.gather [hbm4b:s5+s3], $0x200, $0x38;
	[tilespmem:$0x18410] =	vst v63  }
0x12: {  	_ =	swait.ge [sflag:s9], $0x200  }
0x13: {  	[sflag:s9] =	ssyncset.done $0x0  }
0x14: {  	[sflag:s9] =	ssyncadd.s32 $0xFFFFFE00  }
0x15: {  	[tilespmem:s10], [sflag:$0x1] =	stream.indirect.gather [hbm4b:s4+s10], $0x80, s3, s10, $0xb8;
	[tilespmem:$0x18410] =	vst v63  }
0x16: {  	_ = 	snop  }
0x17: {  	[tilespmem:s11], [sflag:$0x2] =	stream.indirect.gather [hbm4b:s2+s10], $0x1, s3, s10, $0xb8;
	[tilespmem:$0x18410] =	vst v63  }
0x18: {  	_ = 	snop  }
0x19: {  	[tilespmem:s14], [sflag:$0x3] =	stream.strided.gather [hbm4b:s6+s12], $0x8000, s13, s12, $0x38;
	[tilespmem:$0x18410] =	vst v63  }
0x1a: {  	_ =	swait.ge [sflag:s15], $0x10000  }
0x1b: {  	[sflag:s15] =	ssyncset.done $0x0  }
0x1c: {  	[sflag:s15] =	ssyncadd.s32 $0xFFFF0000  }
0x1d: {  	_ =	swait.ge [sflag:s16], $0x8000  }
0x1e: {  	[sflag:s16] =	ssyncset.done $0x0  }
0x1f: {  	[sflag:s16] =	ssyncadd.s32 $0xFFFF8000  }
0x20: {  	_ =	swait.ge [sflag:s17], $0x200  }
0x21: {  	[sflag:s17] =	ssyncset.done $0x0  }
0x22: {  	s21 =	simm.s32 $0x10300;
	[sflag:s17] =	ssyncadd.s32 $0xFFFFFE00  }
0x23: {  	v8 =	vld [tilespmem:s21+$0xC0]  }
0x24: {  	v9 =	vld [tilespmem:s21+$0xD0]  }
0x25: {  	v6 =	vld [tilespmem:s21+$0xE0]  }
0x26: {  	s19 =	simm.s32 $0x400;
	v1 =	vld [tilespmem:s21+$0xF0]  }
0x27: {  	v0 =	vld [tilespmem:s19+$0x180]  }
0x28: {  	v2 =	vld [tilespmem:s19+$0x190]  }
0x29: {  	v3 =	vld [tilespmem:s19+$0x1A0]  }
0x2a: {  	v4 =	vld [tilespmem:s19+$0x1B0]  }
0x2b: {  	v10 =	vld [tilespmem:s21+$0xFFFFFF10]  }
0x2c: {  	v11 =	vld [tilespmem:s21+$0xFFFFFF20]  }
0x2d: {  	v13 =	vld [tilespmem:s21+$0xFFFFFF30]  }
0x2e: {  	v32 =	vld [tilespmem:s19+$0xFFFFFE00]  }
0x2f: {  	v34 =	vld [tilespmem:s19+$0xFFFFFE10]  }
0x30: {  	v35 =	vld [tilespmem:s19+$0xFFFFFE20]  }
0x31: {  	v36 =	vld [tilespmem:s19+$0xFFFFFE30]  }
0x32: {  	v22 =	vld [tilespmem:s21+$0xFFFFFF40]  }
0x33: {  	v16 =	vld [tilespmem:s21+$0xFFFFFF50]  }
0x34: {  	v15 =	vld [tilespmem:s21+$0xFFFFFF60]  }
0x35: {  	v14 =	vld [tilespmem:s21+$0xFFFFFF70]  }
0x36: {  	v28 =	vld [tilespmem:s19+$0xFFFFFE80]  }
0x37: {  	v29 =	vld [tilespmem:s19+$0xFFFFFE90]  }
0x38: {  	v30 =	vld [tilespmem:s19+$0xFFFFFEA0]  }
0x39: {  	v31 =	vld [tilespmem:s19+$0xFFFFFEB0]  }
0x3a: {  	s20 =	simm.s32 $0x18204;
	v25 =	vld [tilespmem:s21+$0xFFFFFF80]  }
0x3b: {  	v21 =	vld [tilespmem:s20+$0x3]  }
0x3c: {  	v27 =	vld [tilespmem:s21+$0xFFFFFF90]  }
0x3d: {  	v17 =	vld [tilespmem:s21+$0xFFFFFFA0]  }
0x3e: {  	v12 =	vld [tilespmem:s21+$0xFFFFFFB0]  }
0x3f: {  	v33 =	vld [tilespmem:s19+$0xFFFFFF00]  }
0x40: {  	v37 =	vld [tilespmem:s19+$0xFFFFFF10]  }
0x41: {  	v38 =	vld [tilespmem:s19+$0xFFFFFF20];
	[tilespmem:$0x1FF20] =	vst v8  }
0x42: {  	[tilespmem:$0x1FF30] =	vst v9  }
0x43: {  	v39 =	vld [tilespmem:s19+$0xFFFFFF30];
	[tilespmem:$0x1FF40] =	vst v6  }
0x44: {  	v60 =	vld [tilespmem:s21+$0xFFFFFFC0]  }
0x45: {  	v0 =	vmul.f32 v0, v8;
	v2 =	vmul.f32 v2, v9;
	v61 =	vld [tilespmem:s21+$0xFFFFFFD0]  }
0x46: {  	v3 =	vmul.f32 v3, v6;
	v4 =	vmul.f32 v4, v1;
	v24 =	vld [tilespmem:s21+$0xFFFFFFE0]  }
0x47: {  	v49 =	vld [tilespmem:s21+$0xFFFFFFF0]  }
0x48: {  	v0 =	vadd.f32 v2, v0;
	v2 =	vadd.f32 v4, v3;
	v3 =	vld [tilespmem:s19+$0xFFFFFF90]  }
0x49: {  	v4 =	vld [tilespmem:s19+$0xFFFFFFB0]  }
0x4a: {  	v20 =	vld [tilespmem:s21+$0x0]  }
0x4b: {  	v18 =	vld [tilespmem:s21+$0x10]  }
0x4c: {  	v19 =	vld [tilespmem:s21+$0x20]  }
0x4d: {  	v50 =	vld [tilespmem:s21+$0x30];
	v0 =	vadd.f32 v2, v0  }
0x4e: {  	v40 =	vld [tilespmem:s19+$0x0]  }
0x4f: {  	v41 =	vld [tilespmem:s19+$0x10];
	(xrf2) =	vadd.scan.msk.f32 $0xffff, v0  }
0x50: {  	v42 =	vld [tilespmem:s19+$0x20]  }
0x51: {  	v43 =	vld [tilespmem:s19+$0x30]  }
0x52: {  	v26 =	vld [tilespmem:s21+$0x40]  }
0x53: {  	v6 =	vperm.xlane v21, v7;
	v21 =	vld [tilespmem:s21+$0x60]  }
0x54: {  	v45 =	vld [tilespmem:s19+$0x80]  }
0x55: {  	v46 =	vld [tilespmem:s19+$0x90]  }
0x56: {  	v28 =	vmul.f32 v28, v22;
	v29 =	vmul.f32 v29, v16;
	v47 =	vld [tilespmem:s19+$0xA0]  }
0x57: {  	v63 =	vld [tilespmem:s19+$0xB0]  }
0x58: {  	v29 =	vadd.f32 v29, v28;
	v28 =	vld [tilespmem:s21+$0x80]  }
0x59: {  	v30 =	vmul.f32 v30, v15;
	v31 =	vmul.f32 v31, v14;
	v2 =	vld [tilespmem:s19+$0xFFFFFF80];
	v23, _, _ =	vpop (xrf2)  }
0x5a: {  	v0 =	vld [tilespmem:s19+$0xFFFFFFA0];
	v44 =	vperm.xlane v23, v5  }
0x5b: {  	v30 =	vadd.f32 v31, v30;
	v23 =	vld [tilespmem:s21+$0x50]  }
0x5c: {  	v37 =	vmul.f32 v37, v27;
	v38 =	vmul.f32 v38, v17;
	v44 =	vadd.f32 v6, v44;
	v6 =	vld [tilespmem:s21+$0x70];
	[tilespmem:$0x1FF50] =	vst v12  }
0x5d: {  	v31 =	vmul.f32 v33, v25;
	v48 =	vadd.f32 v30, v29;
	v30 =	vmul.f32 v39, v12;
	v29 =	vld [tilespmem:s21+$0x90];
	[tilespmem:$0x1FF60] =	vst v60  }
0x5e: {  	v3 =	vmul.f32 v3, v61;
	v4 =	vmul.f32 v4, v49;
	[tilespmem:$0x1FF70] =	vst v61  }
0x5f: {  	v52 =	vmul.f32 v2, v60;
	v0 =	vmul.f32 v0, v24;
	v2 =	vld [tilespmem:s19+$0x1F0];
	[tilespmem:$0x1FF80] =	vst v24  }
0x60: {  	v51 =	vadd.f32 v37, v31;
	v38 =	vadd.f32 v30, v38;
	[tilespmem:$0x1FF90] =	vst v49  }
0x61: {  	v3 =	vadd.f32 v3, v52;
	v0 =	vadd.f32 v4, v0;
	v31 =	vld [tilespmem:s21+$0xA0]  }
0x62: {  	v53 =	vmul.f32 v40, v20;
	v33 =	vadd.f32 v38, v51;
	v30 =	vld [tilespmem:s21+$0xB0];
	[tilespmem:$0x1FFA0] =	vst v50  }
0x63: {  	v54 =	vmul.f32 v41, v18;
	v0 =	vadd.f32 v0, v3;
	(xrf2) =	vadd.scan.msk.f32 $0xffff, v48;
	v44 =	vadd.f32 v44, v44;
	v57 =	vld [tilespmem:s19+$0x100]  }
0x64: {  	v55 =	vmul.f32 v42, v19;
	v56 =	vmul.f32 v43, v50;
	(xrf2) =	vadd.scan.msk.f32 $0xffff, v33;
	v4 =	vld [tilespmem:s19+$0x110]  }
0x65: {  	v58 =	vadd.f32 v54, v53;
	(xrf2) =	vadd.scan.msk.f32 $0xffff, v0;
	v0 =	vmul.f32 v47, v21;
	v62 =	vmul.f32 $1.442695020e+00, v44;
	v60 =	vld [tilespmem:s19+$0x120]  }
0x66: {  	v59 =	vadd.f32 v56, v55;
	v61 =	vmul.f32 v45, v26;
	v3 =	vld [tilespmem:s19+$0x130];
	[tilespmem:$0x1FFB0] =	vst v23;
	v63 =	vmul.f32 v63, v6  }
0x67: {  	v33 =	vld [tilespmem:s21+$0xFFFFFF00];
	[tilespmem:$0x1FFC0] =	vst v6;
	(erf) = vpow2.f32 v62;
	v62 =	vmul.f32 v46, v23  }
0x68: {  	v37 =	vadd.f32 v59, v58;
	v43 =	vld [tilespmem:s20+$0xFFFFFFFC]  }
0x69: {  	v8 =	vld [tilespmem:s20+$0xFFFFFFFD];
	v0 =	vadd.f32 v63, v0;
	v39 =	vadd.f32 v62, v61  }
0x6a: {  	(xrf2) =	vadd.scan.msk.f32 $0xffff, v37;
	v9 =	vld [tilespmem:s20+$0xFFFFFFFE]  }
0x6b: {  	v34 =	vmul.f32 v34, v10;
	v44 =	vld [tilespmem:s20+$0xFFFFFFFF];
	[tilespmem:$0x1FFD0] =	vst v10;
	v0 =	vadd.f32 v0, v39  }
0x6c: {  	v35 =	vmul.f32 v35, v11;
	v36 =	vmul.f32 v36, v13;
	v39 =	vld [tilespmem:s20+$0x0];
	[tilespmem:$0x1FFE0] =	vst v11  }
0x6d: {  	v51, _, _ =	vpop (xrf2);
	v55 =	vmul.f32 v57, v28;
	v4 =	vmul.f32 v4, v29;
	[tilespmem:$0x1FFF0] =	vst v13;
	(xrf2) =	vadd.scan.msk.f32 $0xffff, v0  }
0x6e: {  	v38 =	vmul.f32 v60, v31;
	v3 =	vmul.f32 v3, v30;
	v46 =	vld [tilespmem:s20+$0x1]  }
0x6f: {  	v53 =	vadd.f32 v36, v35;
	v45 =	vperm.xlane v51, v5;
	v32 =	vmul.f32 v32, v33;
	v37 =	vld [tilespmem:s19+$0xFFFFFE40]  }
0x70: {  	v52 =	vperm.xlane v8, v7;
	v35 =	vld [tilespmem:s19+$0xFFFFFE50];
	v4 =	vadd.f32 v4, v55;
	v3 =	vadd.f32 v3, v38;
	v0, _, _ =	vpop (xrf2)  }
0x71: {  	v54 =	vperm.xlane v9, v7;
	v36 =	vld [tilespmem:s19+$0xFFFFFE70];
	v32 =	vadd.f32 v34, v32;
	v0 =	vperm.xlane v0, v5  }
0x72: {  	v61 =	vld [tilespmem:s19+$0xFFFFFEC0];
	v63 =	vadd.f32 v52, v45;
	v3 =	vadd.f32 v3, v4;
	v50 =	vpop (erf)  }
0x73: {  	v59 =	vld [tilespmem:s19+$0xFFFFFED0];
	v11 =	vperm.xlane v44, v7;
	v8, _, _ =	vpop (xrf2);
	v41 =	vadd.f32 $1.000000000e+00, v50;
	v0 =	vadd.f32 v54, v0  }
0x74: {  	v62 =	vld [tilespmem:s19+$0xFFFFFEE0];
	v32 =	vadd.f32 v53, v32;
	v42 =	vadd.f32 v63, v63;
	v4 =	vperm.xlane v39, v7;
	v9, _, _ =	vpop (xrf2)  }
0x75: {  	v60 =	vld [tilespmem:s19+$0xFFFFFEF0];
	v47 =	vperm.xlane v9, v5;
	(erf) = vrcp.f32 v41;
	v0 =	vadd.f32 v0, v0  }
0x76: {  	v58 =	vld [tilespmem:s19+$0xFFFFFF40];
	v45 =	vperm.xlane v8, v5;
	(xrf2) =	vadd.scan.msk.f32 $0xffff, v32;
	v10 =	vmul.f32 $1.442695020e+00, v42  }
0x77: {  	v57 =	vld [tilespmem:s19+$0xFFFFFF70];
	v50 =	vperm.xlane v46, v7;
	v4 =	vadd.f32 v4, v47;
	v44 =	vmul.f32 $1.442695020e+00, v0;
	v49, _, _ =	vpop (xrf2)  }
0x78: {  	v55 =	vld [tilespmem:s19+$0xFFFFFFD0];
	v48 =	vadd.f32 v11, v45;
	(erf) = vpow2.f32 v10;
	v38 =	vperm.xlane v49, v5  }
0x79: {  	v56 =	vld [tilespmem:s19+$0xFFFFFFF0];
	v4 =	vadd.f32 v4, v4;
	(erf) = vpow2.f32 v44  }
0x7a: {  	v34 =	vld [tilespmem:s19+$0xFFFFFE60];
	(xrf2) =	vadd.scan.msk.f32 $0xffff, v3;
	v3 =	vadd.f32 v48, v48;
	v51 =	vadd.f32 v50, v38  }
0x7b: {  	v52 =	vld [tilespmem:s19+$0xD0]  }
0x7c: {  	v53 =	vld [tilespmem:s19+$0xC0];
	v4 =	vmul.f32 $1.442695020e+00, v4;
	v3 =	vmul.f32 $1.442695020e+00, v3;
	v32 =	vadd.f32 v51, v51  }
0x7d: {  	v63 =	vld [tilespmem:s19+$0xFFFFFF60]  }
0x7e: {  	v39 =	vld [tilespmem:s19+$0xFFFFFFE0];
	(erf) = vpow2.f32 v3;
	v8 =	vpop (erf);
	v3 =	vmul.f32 $1.442695020e+00, v32  }
0x7f: {  	v41 =	vld [tilespmem:s20+$0x2];
	(erf) = vpow2.f32 v4;
	v9 =	vadd.f32 v8, v8  }
0x80: {  	v54 =	vld [tilespmem:s19+$0xFFFFFFC0];
	v4, _, _ =	vpop (xrf2);
	(erf) = vpow2.f32 v3  }
0x81: {  	v42 =	vld [tilespmem:s19+$0x150];
	v11 =	vpop (erf);
	v32 =	vsub.f32 $1.000000000e+00, v9  }
0x82: {  	v10 =	vperm.xlane v43, v7;
	v43 =	vld [tilespmem:s19+$0x140];
	v3 =	vperm.xlane v4, v5;
	v4 =	vadd.f32 $1.000000000e+00, v11;
	v44 =	vpop (erf)  }
0x83: {  	v0 =	vld [tilespmem:s19+$0xFFFFFF50];
	v2 =	vmul.f32 v32, v2;
	v40 =	vadd.f32 $1.000000000e+00, v44  }
0x84: {  	v48 =	vld [tilespmem:s19+$0x40];
	v45 =	vperm.xlane v41, v7;
	v46, _, _ =	vpop (xrf2);
	v3 =	vadd.f32 v10, v3;
	(erf) = vrcp.f32 v4  }
0x85: {  	v49 =	vld [tilespmem:s19+$0x50];
	v4 =	vperm.xlane v46, v5;
	v1 =	vadd.f32 v2, v1;
	(erf) = vrcp.f32 v40  }
0x86: {  	v41 =	vld [tilespmem:s19+$0xE0];
	v3 =	vadd.f32 v3, v3  }
0x87: {  	v50 =	vld [tilespmem:s19+$0x60];
	v4 =	vadd.f32 v45, v4;
	v2 =	vpop (erf)  }
0x88: {  	v51 =	vld [tilespmem:s19+$0x70];
	v3 =	vmul.f32 $1.442695020e+00, v3;
	v47 =	vpop (erf)  }
0x89: {  	v44 =	vld [tilespmem:s19+$0x160];
	[tilespmem:s19+$0x1B0] =	vst v1;
	v2 =	vadd.f32 $1.000000000e+00, v2;
	v4 =	vadd.f32 v4, v4;
	v1 =	vpop (erf)  }
0x8a: {  	v46 =	vld [tilespmem:s19+$0x1D0];
	v38 =	vadd.f32 $1.000000000e+00, v47;
	(erf) = vpow2.f32 v3;
	v1 =	vadd.f32 $1.000000000e+00, v1  }
0x8b: {  	v40 =	vld [tilespmem:s19+$0xF0];
	v3 =	vmul.f32 $1.442695020e+00, v4;
	(erf) = vrcp.f32 v2  }
0x8c: {  	v45 =	vld [tilespmem:s19+$0x170];
	(erf) = vrcp.f32 v38  }
0x8d: {  	v24 =	vimm.s32 $0x0;
	v47 =	vld [tilespmem:s19+$0x1E0];
	(erf) = vpow2.f32 v3;
	v2 =	vpop (erf)  }
0x8e: {  	s22 =	simm.s32 $0x0;
	s23 =	simm.s32 $0x10500;
	s21 =	simm.s32 $0x400;
	v23 =	vimm.s32 $0xF;
	v4 =	vld [tilespmem:s19+$0x1C0];
	(erf) = vrcp.f32 v1;
	v3 =	vadd.f32 v2, v2;
	v1 =	vpop (erf)  }
.LBB2_2:
0x8f: {  	_ = 	snop  }
0x90: {  	v2 =	vld [tilespmem:s23+$0xC0]  }
0x91: {  	v38 =	vadd.f32 v1, v1;
	v1 =	vld [tilespmem:s23+$0xD0]  }
0x92: {  	s19 =	sadd.s32 $0x400, s19;
	v6 =	vsub.f32 $1.000000000e+00, v3;
	v3 =	vld [tilespmem:s23+$0xE0]  }
0x93: {  	v12 =	vld [tilespmem:s19+$0x190];
	v5 =	vpop (erf)  }
0x94: {  	v13 =	vld [tilespmem:s19+$0x1A0];
	v10 =	vadd.f32 $1.000000000e+00, v5;
	v61 =	vmul.f32 v6, v61;
	v8 =	vpop (erf)  }
0x95: {  	v7 =	vsub.f32 $1.000000000e+00, v38;
	v38 =	vld [tilespmem:s23+$0xF0];
	v59 =	vmul.f32 v6, v59;
	v62 =	vmul.f32 v6, v62;
	v9 =	vpop (erf)  }
0x96: {  	v6 =	vmul.f32 v6, v60;
	v60 =	vld [tilespmem:s23+$0xFFFFFF10];
	(erf) = vrcp.f32 v10;
	v5 =	vpop (erf)  }
0x97: {  	v58 =	vmul.f32 v7, v58;
	v0 =	vmul.f32 v7, v0;
	v10 =	vld [tilespmem:s19+$0x180];
	v5 =	vadd.f32 $1.000000000e+00, v5  }
0x98: {  	v16 =	vadd.f32 v59, v16;
	v59 =	vmul.f32 v7, v63;
	v7 =	vmul.f32 v7, v57;
	v57 =	vld [tilespmem:s23+$0xFFFFFF20]  }
0x99: {  	v8 =	vadd.f32 v8, v8;
	v11 =	vpop (erf);
	(erf) = vrcp.f32 v5;
	v5 =	vld [tilespmem:s19+$0x1B0]  }
0x9a: {  	v22 =	vadd.f32 v61, v22;
	v15 =	vadd.f32 v62, v15;
	v61 =	vld [tilespmem:s23+$0xFFFFFF30]  }
0x9b: {  	v0 =	vadd.f32 v0, v27;
	v27 =	vld [tilespmem:s19+$0xFFFFFE30]  }
0x9c: {  	v12 =	vmul.f32 v12, v1;
	v9 =	vadd.f32 v9, v9;
	v8 =	vsub.f32 $1.000000000e+00, v8;
	[tilespmem:s21+$0xFFFFFEA0] =	vst v15;
	v15 =	vld [tilespmem:s19+$0xFFFFFE10]  }
0x9d: {  	s20 =	sadd.s32 $0x8, s20;
	[tilespmem:s21+$0xFFFFFE90] =	vst v16;
	v16 =	vadd.f32 v6, v14;
	v14 =	vadd.f32 v58, v25;
	v25 =	vld [tilespmem:s19+$0xFFFFFE20];
	v10 =	vmul.f32 v10, v2  }
0x9e: {  	v63 =	vmul.f32 v13, v3;
	[tilespmem:s21+$0xFFFFFE80] =	vst v22;
	v58 =	vld [tilespmem:s20+$0x3];
	v5 =	vmul.f32 v5, v38  }
0x9f: {  	v9 =	vsub.f32 $1.000000000e+00, v9;
	v62 =	vmul.f32 v8, v39;
	v39 =	vld [tilespmem:s19+$0xFFFFFE00];
	[tilespmem:s21+$0xFFFFFEB0] =	vst v16;
	v10 =	vadd.f32 v12, v10;
	v6 =	vpop (erf)  }
0xa0: {  	v22 =	vld [tilespmem:s23+$0xFFFFFF40];
	v6 =	vadd.f32 v6, v6;
	v5 =	vadd.f32 v5, v63  }
0xa1: {  	[tilespmem:s21+$0xFFFFFF10] =	vst v0;
	v17 =	vadd.f32 v59, v17;
	v0 =	vmul.f32 v9, v50;
	v50 =	vld [tilespmem:$0x1FFD0]  }
0xa2: {  	v54 =	vmul.f32 v8, v54;
	v16 =	vld [tilespmem:s23+$0xFFFFFF50];
	v6 =	vsub.f32 $1.000000000e+00, v6;
	v5 =	vadd.f32 v5, v10  }
0xa3: {  	v11 =	vadd.f32 v11, v11;
	v27 =	vmul.f32 v27, v61;
	v59 =	vld [tilespmem:s19+$0xFFFFFE80];
	v25 =	vmul.f32 v25, v57  }
0xa4: {  	v55 =	vmul.f32 v8, v55;
	[tilespmem:s21+$0xFFFFFF20] =	vst v17;
	v17 =	vld [tilespmem:s19+$0xFFFFFE90];
	(xrf2) =	vadd.scan.msk.f32 $0xffff, v5;
	v5 =	vmul.f32 v6, v35  }
0xa5: {  	v8 =	vmul.f32 v8, v56;
	v63 =	vmul.f32 v6, v34;
	v34 =	vadd.f32 v27, v25;
	v27 =	vld [tilespmem:$0x1FFF0]  }
0xa6: {  	[tilespmem:s21+$0xFFFFFF00] =	vst v14;
	v56 =	vmul.f32 v9, v48;
	v49 =	vmul.f32 v9, v49;
	v14 =	vld [tilespmem:s23+$0xFFFFFF70];
	v5 =	vadd.f32 v5, v50  }
0xa7: {  	v11 =	vsub.f32 $1.000000000e+00, v11;
	v48 =	vmul.f32 v15, v60;
	v15 =	vld [tilespmem:s23+$0xFFFFFF60];
	v37 =	vmul.f32 v6, v37  }
0xa8: {  	v9 =	vmul.f32 v9, v51;
	v13 =	vpop (erf);
	v6 =	vmul.f32 v6, v36;
	[tilespmem:s21+$0xFFFFFE10] =	vst v5;
	v5 =	vld [tilespmem:$0x1FFE0]  }
0xa9: {  	v51 =	vmovc v60;
	v12 =	vmul.f32 v11, v53;
	v53 =	vld [tilespmem:s19+$0xFFFFFEB0];
	v13 =	vadd.f32 v13, v13;
	v33 =	vadd.f32 v37, v33  }
0xaa: {  	[tilespmem:$0x1FFD0] =	vst v51;
	v35 =	vmul.f32 v59, v22;
	v59 =	vmul.f32 v17, v16;
	v17 =	vld [tilespmem:$0x1FF70];
	v6 =	vadd.f32 v6, v27  }
0xab: {  	v10 =	vmul.f32 v11, v52;
	v52 =	vld [tilespmem:s19+$0xFFFFFEA0];
	v13 =	vsub.f32 $1.000000000e+00, v13;
	[tilespmem:s21+$0xFFFFFE00] =	vst v33  }
0xac: {  	[tilespmem:s21+$0xFFFFFE30] =	vst v6;
	v6 =	vld [tilespmem:$0x1FF60]  }
0xad: {  	v25 =	vld [tilespmem:s23+$0xFFFFFF80];
	v33 =	vmul.f32 v13, v43;
	v37 =	vmul.f32 v13, v42;
	v27 =	vmovc v57;
	v5 =	vadd.f32 v63, v5  }
0xae: {  	v18 =	vadd.f32 v49, v18;
	v42 =	vmul.f32 v13, v44;
	v13 =	vmul.f32 v13, v45;
	[tilespmem:$0x1FFE0] =	vst v27;
	v27 =	vld [tilespmem:s23+$0xFFFFFF90]  }
0xaf: {  	v60 =	vadd.f32 v55, v17;
	[tilespmem:s21+$0xFFFFFE20] =	vst v5;
	v5 =	vld [tilespmem:$0x1FF50]  }
0xb0: {  	v0 =	vadd.f32 v0, v19;
	v19 =	vmov v61;
	[tilespmem:s21+$0x10] =	vst v18;
	v17 =	vld [tilespmem:s23+$0xFFFFFFA0];
	v61 =	vadd.f32 v13, v30  }
0xb1: {  	[tilespmem:s21+$0xFFFFFF90] =	vst v60;
	v63 =	vld [tilespmem:$0x1FF90];
	v6 =	vadd.f32 v54, v6  }
0xb2: {  	v55 =	vld [tilespmem:$0x1FFA0];
	v60 =	vadd.f32 v42, v31;
	[tilespmem:s21+$0x130] =	vst v61  }
0xb3: {  	v61 =	vld [tilespmem:s19+$0xFFFFFEC0];
	[tilespmem:s21+$0xFFFFFF80] =	vst v6;
	v6 =	vadd.f32 v56, v20  }
0xb4: {  	v36 =	vmul.f32 v11, v41;
	[tilespmem:s21+$0x120] =	vst v60;
	v60 =	vld [tilespmem:s19+$0xFFFFFEF0];
	v5 =	vadd.f32 v7, v5  }
0xb5: {  	v50 =	vmul.f32 v53, v14;
	v41 =	vmul.f32 v52, v15;
	[tilespmem:s21+$0x0] =	vst v6;
	v6 =	vld [tilespmem:$0x1FFB0]  }
0xb6: {  	v8 =	vadd.f32 v8, v63;
	[tilespmem:s21+$0xFFFFFF30] =	vst v5;
	v5 =	vld [tilespmem:$0x1FF80]  }
0xb7: {  	v4 =	vmul.f32 v32, v4;
	[tilespmem:$0x1FFF0] =	vst v19;
	v43 =	vmul.f32 v32, v46;
	v19 =	vadd.f32 v50, v41;
	v51 =	vld [tilespmem:s23+$0xFFFFFFB0]  }
0xb8: {  	v7 =	vmul.f32 v32, v47;
	v32 =	vadd.f32 v59, v35;
	[tilespmem:s21+$0xFFFFFFB0] =	vst v8;
	v8 =	vadd.f32 v9, v55;
	v20 =	vld [tilespmem:s19+$0xFFFFFF00]  }
0xb9: {  	[tilespmem:s21+$0x20] =	vst v0;
	v53 =	vld [tilespmem:s19+$0xFFFFFF10]  }
0xba: {  	v56 =	vadd.f32 v12, v26;
	v12 =	vadd.f32 v19, v32;
	[tilespmem:s21+$0x30] =	vst v8;
	v19 =	vld [tilespmem:s19+$0xFFFFFF30]  }
0xbb: {  	v0 =	vadd.f32 v33, v28;
	v33 =	vld [tilespmem:s23+$0x30];
	v6 =	vadd.f32 v10, v6  }
0xbc: {  	v11 =	vmul.f32 v11, v40;
	v52, _, _ =	vpop (xrf2);
	(xrf2) =	vadd.scan.msk.f32 $0xffff, v12;
	v12 =	vld [tilespmem:$0x1FFC0]  }
0xbd: {  	v40 =	vperm.xlane v52, v23;
	v54 =	vperm.xlane v58, v24;
	[tilespmem:s21+$0x90] =	vst v6;
	v6 =	vld [tilespmem:$0x1FF20];
	v5 =	vadd.f32 v62, v5  }
0xbe: {  	v62 =	vld [tilespmem:$0x1FF40]  }
0xbf: {  	v26 =	vadd.f32 v54, v40;
	[tilespmem:s21+$0xFFFFFFA0] =	vst v5;
	v5 =	vld [tilespmem:s19+$0xFFFFFF20]  }
0xc0: {  	v57 =	vld [tilespmem:s23+$0xFFFFFFC0]  }
0xc1: {  	v18 =	vmul.f32 v20, v25;
	v20 =	vadd.f32 v26, v26;
	v59 =	vld [tilespmem:s23+$0xFFFFFFD0]  }
0xc2: {  	v26 =	vld [tilespmem:s23+$0xFFFFFFE0]  }
0xc3: {  	v58 =	vadd.f32 v36, v21;
	v21 =	vadd.f32 v37, v29;
	v28 =	vld [tilespmem:s23+$0xFFFFFFF0];
	v29 =	vmul.f32 $1.442695020e+00, v20  }
0xc4: {  	v11 =	vadd.f32 v11, v12;
	v12 =	vmul.f32 v53, v27;
	v13 =	vld [tilespmem:s19+$0xFFFFFF90]  }
0xc5: {  	v63 =	vmovc v1;
	v1 =	vmov v3;
	v4 =	vadd.f32 v4, v6;
	v6 =	vld [tilespmem:$0x1FF30];
	(erf) = vpow2.f32 v29  }
0xc6: {  	[tilespmem:$0x1FF40] =	vst v1;
	v1 =	vld [tilespmem:s19+$0xFFFFFFB0];
	v12 =	vadd.f32 v12, v18;
	v18 =	vmul.f32 v19, v51;
	v5 =	vmul.f32 v5, v17  }
0xc7: {  	v19 =	vld [tilespmem:s19+$0xFFFFFF80]  }
0xc8: {  	[tilespmem:s21+$0x100] =	vst v0;
	v20 =	vmov v2;
	v2 =	vadd.f32 v18, v5;
	v5 =	vld [tilespmem:s19+$0xFFFFFFA0]  }
0xc9: {  	v7 =	vadd.f32 v7, v62;
	[tilespmem:$0x1FF20] =	vst v20;
	v20 =	vld [tilespmem:s23+$0x0]  }
0xca: {  	[tilespmem:s21+$0x180] =	vst v4;
	v4 =	vld [tilespmem:s19+$0x10];
	v6 =	vadd.f32 v43, v6  }
0xcb: {  	[tilespmem:s21+$0x1A0] =	vst v7;
	v7 =	vld [tilespmem:s19+$0x30];
	v2 =	vadd.f32 v2, v12  }
0xcc: {  	[tilespmem:s21+$0xA0] =	vst v58;
	v3 =	vmul.f32 v13, v59;
	v0 =	vmul.f32 v19, v57;
	v18 =	vld [tilespmem:s23+$0x10]  }
0xcd: {  	[tilespmem:s21+$0x80] =	vst v56;
	v1 =	vmul.f32 v1, v28;
	v19 =	vld [tilespmem:s23+$0x20];
	(xrf2) =	vadd.scan.msk.f32 $0xffff, v2;
	v2 =	vmul.f32 v5, v26  }
0xce: {  	v0 =	vadd.f32 v3, v0;
	v3 =	vld [tilespmem:s19+$0x0];
	[tilespmem:s21+$0x190] =	vst v6;
	v6 =	vpop (erf)  }
0xcf: {  	[tilespmem:s21+$0xB0] =	vst v11;
	v6 =	vadd.f32 $1.000000000e+00, v6;
	v1 =	vadd.f32 v1, v2;
	v2 =	vld [tilespmem:s19+$0x20]  }
0xd0: {  	v35 =	vld [tilespmem:s23+$0x50]  }
0xd1: {  	[tilespmem:s21+$0x110] =	vst v21;
	v21 =	vld [tilespmem:s23+$0x60];
	(erf) = vrcp.f32 v6  }
0xd2: {  	v36 =	vld [tilespmem:s23+$0x70];
	v0 =	vadd.f32 v1, v0  }
0xd3: {  	[tilespmem:$0x1FF80] =	vst v26;
	v26 =	vld [tilespmem:s23+$0x40];
	v1 =	vmul.f32 v3, v20;
	v3 =	vmul.f32 v4, v18  }
0xd4: {  	v5, _, _ =	vpop (xrf2);
	v6 =	vld [tilespmem:s19+$0x90];
	(xrf2) =	vadd.scan.msk.f32 $0xffff, v0;
	v0 =	vmul.f32 v2, v19;
	v2 =	vmul.f32 v7, v33  }
0xd5: {  	v1 =	vadd.f32 v3, v1;
	v3 =	vld [tilespmem:s19+$0x80]  }
0xd6: {  	v7 =	vld [tilespmem:s19+$0xB0];
	v0 =	vadd.f32 v2, v0  }
0xd7: {  	v2 =	vld [tilespmem:s19+$0xA0]  }
0xd8: {  	v31 =	vld [tilespmem:s23+$0xA0]  }
0xd9: {  	v30 =	vld [tilespmem:s23+$0xB0]  }
0xda: {  	v37 =	vadd.f32 v0, v1;
	v1 =	vmul.f32 v3, v26;
	v3 =	vmul.f32 v6, v35;
	v6 =	vld [tilespmem:s19+$0x1F0];
	v0 =	vpop (erf)  }
0xdb: {  	v40 =	vld [tilespmem:s19+$0x100];
	v0 =	vadd.f32 v0, v0  }
0xdc: {  	v29 =	vld [tilespmem:s23+$0x90];
	v1 =	vadd.f32 v3, v1;
	v3 =	vmul.f32 v7, v36;
	v2 =	vmul.f32 v2, v21  }
0xdd: {  	[tilespmem:$0x1FF90] =	vst v28;
	v28 =	vld [tilespmem:s23+$0x80];
	v32 =	vsub.f32 $1.000000000e+00, v0  }
0xde: {  	[tilespmem:$0x1FFA0] =	vst v33;
	v33 =	vld [tilespmem:s23+$0xFFFFFF00];
	v4, _, _ =	vpop (xrf2);
	(xrf2) =	vadd.scan.msk.f32 $0xffff, v37;
	v0 =	vadd.f32 v3, v2  }
0xdf: {  	v2 =	vld [tilespmem:s19+$0x110];
	v6 =	vmul.f32 v32, v6  }
0xe0: {  	v3 =	vld [tilespmem:s19+$0x120];
	v0 =	vadd.f32 v0, v1  }
0xe1: {  	v1 =	vld [tilespmem:s19+$0x130];
	v6 =	vadd.f32 v6, v38  }
0xe2: {  	v7, _, _ =	vpop (xrf2);
	(xrf2) =	vadd.scan.msk.f32 $0xffff, v0;
	v0 =	vld [tilespmem:s20+$0xFFFFFFFD]  }
0xe3: {  	[tilespmem:s19+$0x1B0] =	vst v6;
	v6 =	vld [tilespmem:s20+$0xFFFFFFFE]  }
0xe4: {  	v41 =	vld [tilespmem:s20+$0xFFFFFFFC];
	v8 =	vmul.f32 v40, v28;
	v5 =	vperm.xlane v5, v23  }
0xe5: {  	v43 =	vld [tilespmem:s20+$0xFFFFFFFF];
	v44 =	vmul.f32 v39, v33;
	v2 =	vmul.f32 v2, v29  }
0xe6: {  	v12 =	vld [tilespmem:s20+$0x0];
	v3 =	vmul.f32 v3, v31;
	v1 =	vmul.f32 v1, v30  }
0xe7: {  	v13 =	vld [tilespmem:s20+$0x1];
	v4 =	vperm.xlane v4, v23;
	v2 =	vadd.f32 v2, v8;
	v0 =	vperm.xlane v0, v24  }
0xe8: {  	v45 =	vld [tilespmem:s20+$0x2];
	v42, _, _ =	vpop (xrf2);
	v1 =	vadd.f32 v1, v3;
	v3 =	vadd.f32 v48, v44;
	v6 =	vperm.xlane v6, v24  }
0xe9: {  	v56 =	vld [tilespmem:s19+$0xFFFFFFF0];
	v7 =	vperm.xlane v7, v23;
	v10 =	vperm.xlane v42, v23;
	v0 =	vadd.f32 v0, v5  }
0xea: {  	v58 =	vld [tilespmem:s19+$0xFFFFFF40];
	v46 =	vadd.f32 v34, v3;
	v3 =	vperm.xlane v43, v24;
	v4 =	vadd.f32 v6, v4  }
0xeb: {  	v49 =	vld [tilespmem:s19+$0x50];
	v1 =	vadd.f32 v1, v2;
	v5 =	vperm.xlane v12, v24;
	v0 =	vadd.f32 v0, v0  }
0xec: {  	v50 =	vld [tilespmem:s19+$0x60];
	v3 =	vadd.f32 v3, v7;
	v6 =	vperm.xlane v13, v24;
	(xrf2) =	vadd.scan.msk.f32 $0xffff, v46;
	v2, _, _ =	vpop (xrf2);
	v4 =	vadd.f32 v4, v4  }
0xed: {  	v54 =	vld [tilespmem:s19+$0xFFFFFFC0];
	v5 =	vadd.f32 v5, v10;
	(xrf2) =	vadd.scan.msk.f32 $0xffff, v1;
	v2 =	vperm.xlane v2, v23;
	v0 =	vmul.f32 $1.442695020e+00, v0  }
0xee: {  	v55 =	vld [tilespmem:s19+$0xFFFFFFD0];
	v3 =	vadd.f32 v3, v3;
	v1 =	vmul.f32 $1.442695020e+00, v4  }
0xef: {  	[tilespmem:$0x1FF30] =	vst v63;
	v63 =	vld [tilespmem:s19+$0xFFFFFF60];
	v5 =	vadd.f32 v5, v5;
	v2 =	vadd.f32 v6, v2;
	(erf) = vpow2.f32 v0  }
0xf0: {  	[tilespmem:$0x1FF50] =	vst v51;
	v51 =	vld [tilespmem:s19+$0x70];
	v3 =	vmul.f32 $1.442695020e+00, v3;
	(erf) = vpow2.f32 v1  }
0xf1: {  	v62 =	vld [tilespmem:s19+$0xFFFFFEE0];
	v4 =	vmul.f32 $1.442695020e+00, v5;
	v2 =	vadd.f32 v2, v2  }
0xf2: {  	v53 =	vld [tilespmem:s19+$0xC0];
	(erf) = vpow2.f32 v3  }
0xf3: {  	v52 =	vld [tilespmem:s19+$0xD0];
	v2 =	vmul.f32 $1.442695020e+00, v2;
	(erf) = vpow2.f32 v4  }
0xf4: {  	v9 =	vperm.xlane v41, v24;
	v41 =	vld [tilespmem:s19+$0xE0]  }
0xf5: {  	[tilespmem:$0x1FF70] =	vst v59;
	v59 =	vld [tilespmem:s19+$0xFFFFFED0]  }
0xf6: {  	[tilespmem:$0x1FF60] =	vst v57;
	v57 =	vld [tilespmem:s19+$0xFFFFFF70];
	v1, _, _ =	vpop (xrf2)  }
0xf7: {  	v40 =	vld [tilespmem:s19+$0xF0];
	(erf) = vpow2.f32 v2;
	v2, _, _ =	vpop (xrf2)  }
0xf8: {  	[tilespmem:$0x1FFB0] =	vst v35;
	v35 =	vld [tilespmem:s19+$0xFFFFFE50];
	v1 =	vperm.xlane v1, v23;
	v3 =	vpop (erf)  }
0xf9: {  	v39 =	vld [tilespmem:s19+$0xFFFFFFE0];
	v7 =	vperm.xlane v45, v24;
	v6 =	vadd.f32 $1.000000000e+00, v3;
	v4 =	vpop (erf)  }
0xfa: {  	v37 =	vld [tilespmem:s19+$0xFFFFFE40];
	v1 =	vadd.f32 v9, v1;
	v2 =	vperm.xlane v2, v23;
	v47 =	vadd.f32 $1.000000000e+00, v4  }
0xfb: {  	[tilespmem:$0x1FFC0] =	vst v36;
	v36 =	vld [tilespmem:s19+$0xFFFFFE70];
	v5 =	vpop (erf);
	(erf) = vrcp.f32 v6  }
0xfc: {  	v42 =	vld [tilespmem:s19+$0x150];
	v1 =	vadd.f32 v1, v1;
	v2 =	vadd.f32 v7, v2;
	v3 =	vpop (erf);
	(erf) = vrcp.f32 v47  }
0xfd: {  	v48 =	vld [tilespmem:s19+$0x40]  }
0xfe: {  	v44 =	vld [tilespmem:s19+$0x160];
	v1 =	vmul.f32 $1.442695020e+00, v1;
	v2 =	vadd.f32 v2, v2  }
0xff: {  	s22 =	sadd.s32 $0x8, s22;
	v34 =	vld [tilespmem:s19+$0xFFFFFE60]  }
0x100: {  	p0 =	slt.u32 s22, $0x1F8;
	v43 =	vld [tilespmem:s19+$0x140];
	v5 =	vadd.f32 $1.000000000e+00, v5;
	v4 =	vpop (erf);
	(erf) = vpow2.f32 v1;
	v1 =	vmul.f32 $1.442695020e+00, v2  }
.Ltmp0:
0x101: {  	v45 =	vld [tilespmem:s19+$0x170];
	v3 =	vadd.f32 $1.000000000e+00, v3;
	(pc) =	sbr.rel @p0 .LBB2_2-.Ltmp0, $4  }
0x102: {  	v46 =	vld [tilespmem:s19+$0x1D0];
	(erf) = vrcp.f32 v5  }
0x103: {  	v0 =	vld [tilespmem:s19+$0xFFFFFF50];
	v4 =	vadd.f32 $1.000000000e+00, v4;
	(erf) = vrcp.f32 v3  }
0x104: {  	v47 =	vld [tilespmem:s19+$0x1E0];
	(erf) = vpow2.f32 v1;
	v1 =	vpop (erf)  }
0x105: {  	s21 =	smov.u32 s19;
	s23 =	sadd.s32 $0x200, s23;
	(erf) = vrcp.f32 v4;
	v4 =	vld [tilespmem:s19+$0x1C0];
	v3 =	vadd.f32 v1, v1;
	v1 =	vpop (erf)  }
0x106: {  	_ =	sdelay $0x2  }
0x107: {  	v2 =	vpop (erf)  }
0x108: {  	v2 =	vadd.f32 $1.000000000e+00, v2  }
0x109: {  	v13 =	vsub.f32 $1.000000000e+00, v3  }
0x10a: {  	v1 =	vadd.f32 v1, v1;
	(erf) = vrcp.f32 v2  }
0x10b: {  	v6 =	vmul.f32 v13, v61  }
0x10c: {  	v1 =	vsub.f32 $1.000000000e+00, v1;
	v8 =	vmul.f32 v13, v59  }
0x10d: {  	v10 =	vmul.f32 v13, v62;
	v6 =	vadd.f32 v6, v22  }
0x10e: {  	v0 =	vmul.f32 v1, v0;
	v8 =	vadd.f32 v8, v16  }
0x10f: {  	v23 =	vmul.f32 v1, v58;
	v3 =	vpop (erf);
	[tilespmem:s21+$0xFFFFFE80] =	vst v6;
	v6 =	vadd.f32 v10, v15  }
0x110: {  	v5 =	vpop (erf);
	v2 =	vmul.f32 v13, v60;
	v0 =	vadd.f32 v0, v27;
	[tilespmem:s21+$0xFFFFFE90] =	vst v8  }
0x111: {  	v24 =	vmul.f32 v1, v63;
	v7 =	vpop (erf);
	[tilespmem:s21+$0xFFFFFEA0] =	vst v6;
	v6 =	vadd.f32 v23, v25  }
0x112: {  	v9 =	vpop (erf);
	v2 =	vadd.f32 v2, v14;
	[tilespmem:s21+$0xFFFFFF10] =	vst v0  }
0x113: {  	[tilespmem:s21+$0xFFFFFF00] =	vst v6;
	v6 =	vadd.f32 v24, v17;
	v11 =	vpop (erf)  }
0x114: {  	[tilespmem:s21+$0xFFFFFEB0] =	vst v2;
	v11 =	vadd.f32 v11, v11  }
0x115: {  	[tilespmem:s21+$0xFFFFFF20] =	vst v6  }
0x116: {  	v6 =	vld [tilespmem:$0x1FFD0];
	v8 =	vsub.f32 $1.000000000e+00, v11;
	_ =	sdelay $0x1  }
0x117: {  	v25 =	vadd.f32 $1.000000000e+00, v7;
	v7 =	vmul.f32 v8, v37  }
0x118: {  	v27 =	vmul.f32 v8, v35  }
0x119: {  	v33 =	vadd.f32 v7, v33  }
0x11a: {  	v6 =	vadd.f32 v27, v6  }
0x11b: {  	[tilespmem:s21+$0xFFFFFE00] =	vst v33  }
0x11c: {  	v0 =	vld [tilespmem:$0x1FFE0];
	[tilespmem:s21+$0xFFFFFE10] =	vst v6  }
0x11d: {  	v37 =	vld [tilespmem:$0x1FFF0];
	_ =	sdelay $0x1  }
0x11e: {  	v35 =	vmul.f32 v8, v34  }
0x11f: {  	v7 =	vmul.f32 v8, v36  }
0x120: {  	v0 =	vadd.f32 v35, v0  }
0x121: {  	v2 =	vadd.f32 v7, v37  }
0x122: {  	[tilespmem:s21+$0xFFFFFE20] =	vst v0  }
0x123: {  	v3 =	vadd.f32 v3, v3;
	v0 =	vld [tilespmem:$0x1FF50];
	[tilespmem:s21+$0xFFFFFE30] =	vst v2  }
0x124: {  	v2 =	vld [tilespmem:$0x1FF60]  }
0x125: {  	v3 =	vsub.f32 $1.000000000e+00, v3  }
0x126: {  	v1 =	vmul.f32 v1, v57  }
0x127: {  	v6 =	vmul.f32 v3, v54;
	v7 =	vld [tilespmem:$0x1FF70]  }
0x128: {  	v0 =	vadd.f32 v1, v0  }
0x129: {  	v2 =	vadd.f32 v6, v2  }
0x12a: {  	v38 =	vmul.f32 v3, v55;
	[tilespmem:s21+$0xFFFFFF30] =	vst v0  }
0x12b: {  	v0 =	vld [tilespmem:$0x1FF80];
	[tilespmem:s21+$0xFFFFFF80] =	vst v2  }
0x12c: {  	v5 =	vadd.f32 v5, v5;
	v1 =	vadd.f32 v38, v7;
	v7 =	vld [tilespmem:$0x1FF90];
	_ =	sdelay $0x1  }
0x12d: {  	v5 =	vsub.f32 $1.000000000e+00, v5;
	v6 =	vmul.f32 v3, v39  }
0x12e: {  	v3 =	vmul.f32 v3, v56  }
0x12f: {  	(erf) = vrcp.f32 v25;
	v0 =	vadd.f32 v6, v0;
	v6 =	vmul.f32 v5, v48  }
0x130: {  	[tilespmem:s21+$0xFFFFFF90] =	vst v1;
	v3 =	vadd.f32 v3, v7  }
0x131: {  	v6 =	vadd.f32 v6, v20;
	[tilespmem:s21+$0xFFFFFFA0] =	vst v0  }
0x132: {  	v54 =	vadd.f32 v9, v9;
	[tilespmem:s21+$0xFFFFFFB0] =	vst v3  }
0x133: {  	v55 =	vmul.f32 v5, v49;
	[tilespmem:s21+$0x0] =	vst v6  }
0x134: {  	v57 =	vmul.f32 v5, v50;
	v56 =	vsub.f32 $1.000000000e+00, v54;
	v7 =	vld [tilespmem:$0x1FFA0]  }
0x135: {  	v1 =	vadd.f32 v55, v18  }
0x136: {  	v2 =	vadd.f32 v57, v19;
	v6 =	vmul.f32 v56, v53  }
0x137: {  	v5 =	vmul.f32 v5, v51;
	[tilespmem:s21+$0x10] =	vst v1  }
0x138: {  	v3 =	vpop (erf);
	[tilespmem:s21+$0x20] =	vst v2;
	v6 =	vadd.f32 v6, v26  }
0x139: {  	v3 =	vadd.f32 v3, v3;
	v5 =	vadd.f32 v5, v7;
	v7 =	vld [tilespmem:$0x1FFB0]  }
0x13a: {  	[tilespmem:s21+$0x80] =	vst v6  }
0x13b: {  	v59 =	vsub.f32 $1.000000000e+00, v3;
	v3 =	vmul.f32 v56, v41;
	[tilespmem:s21+$0x30] =	vst v5  }
0x13c: {  	v58 =	vmul.f32 v56, v52;
	v6 =	vld [tilespmem:$0x1FFC0]  }
0x13d: {  	v3 =	vadd.f32 v3, v21;
	v5 =	vmul.f32 v59, v43  }
0x13e: {  	v60 =	vmul.f32 v59, v42;
	v1 =	vadd.f32 v58, v7  }
0x13f: {  	v0 =	vmul.f32 v56, v40;
	[tilespmem:s21+$0xA0] =	vst v3;
	v5 =	vadd.f32 v5, v28  }
0x140: {  	v3 =	vmul.f32 v59, v44;
	[tilespmem:s21+$0x90] =	vst v1;
	v1 =	vadd.f32 v60, v29  }
0x141: {  	v2 =	vmul.f32 v59, v45;
	[tilespmem:s21+$0x100] =	vst v5;
	v0 =	vadd.f32 v0, v6  }
0x142: {  	v61 =	vadd.f32 v3, v31;
	[tilespmem:s21+$0x110] =	vst v1  }
0x143: {  	v2 =	vadd.f32 v2, v30;
	[tilespmem:s21+$0xB0] =	vst v0  }
0x144: {  	v5 =	vld [tilespmem:$0x1FF20];
	[tilespmem:s21+$0x120] =	vst v61  }
0x145: {  	v0 =	vld [tilespmem:$0x1FF30];
	[tilespmem:s21+$0x130] =	vst v2  }
0x146: {  	v63 =	vld [tilespmem:$0x1FF40]  }
0x147: {  	v3 =	vmul.f32 v32, v4  }
0x148: {  	v62 =	vmul.f32 v32, v46  }
0x149: {  	v4 =	vmul.f32 v32, v47;
	v3 =	vadd.f32 v3, v5  }
0x14a: {  	v0 =	vadd.f32 v62, v0  }
0x14b: {  	s18 =	sadd.s32 $0x1, s18;
	v1 =	vadd.f32 v4, v63;
	[tilespmem:s21+$0x180] =	vst v3  }
0x14c: {  	p0 =	sne.s32 s18, s8;
	[tilespmem:s21+$0x190] =	vst v0  }
.Ltmp1:
0x14d: {  	[tilespmem:s21+$0x1A0] =	vst v1;
	(pc) =	sbr.rel @p0 .LBB2_1-.Ltmp1, $4  }
0x14e: {  	[hbm4b:s7+s3] =	stream.linear.scatter [tilespmem:s10], [sflag:$0x4], $0x10000, $0x38;
	[tilespmem:$0x18410] =	vst v63  }
0x14f: {  	_ =	swait.ge [sflag:s9], $0x10000  }
0x150: {  	[sflag:s9] =	ssyncset.done $0x0  }
0x151: {  	v7 =	vimm.s32 $0x0;
	v5 =	vimm.s32 $0xF;
	[sflag:s9] =	ssyncadd.s32 $0xFFFF0000  }
0x152: {  	_ =	sfence.sel $0x180000  }
0x153: {  	[bflag:$0x0] =	sbarrier.arrive $0xFFFF  }
0x154: {  	p0 =	sne.s32 s1, $0x0;
	_ =	strace $0x90000047  }
0x155: {  	s0 =	sadd.s32 @!p0 $0x100000, s0;
	[bflag:$0x2] =	sbarrier.arrive $0xFFFF  }
0x156: {  	[sflag:s0] =	ssyncadd.tile.s32 @!p0 $0x1;
	_ =	shalt  }
.Lfunc_end2:
_tile_overlayer_lowered:
.L_overlay_start_2:
0x157: {  	(tag) =	ssettag $0x2  }
0x158: {  	s0 =	rddreg [dreg:$0x0];
	s2 =	stileid.u32  }
0x159: {  	s1 =	rddreg [dreg:$0x1];
	p0 =	sne.s32 s2, $0x0  }
0x15a: {  	s3 =	rddreg [dreg:$0x2];
	[bflag:$0x3] =	sbarrier.arrive $0xFFFF;
	s2 =	simm.s32 @!p0 $0x1C04  }
0x15b: {  	[timem:s3], [sflag:s2] =	dma.local @!p0 [hbm:s0], s1  }
0x15c: {  	s0 =	simm.s32 @!p0 $0x4  }
0x15d: {  	_ =	swait.ge @!p0 [sflag:s0], s1  }
0x15e: {  	s1 =	ssub.s32 @!p0 $0x0, s1;
	[sflag:s0] =	ssyncset.done @!p0 $0x0  }
0x15f: {  	[sflag:s0] =	ssyncadd.s32 @!p0 s1  }
0x160: {  	[bflag:$0x3] =	sbarrier.arrive $0xFFFF  }
0x161: {  	_ =	shalt  }

</sc_bundles>
